<compile_context>
chip_gen: v7x
topology: tpu7x:2x2x1
jax: 0.10.2.dev20260603
libtpu: 0.0.44.dev20260713+nightly
codegen_flags: <defaults>
</compile_context>

<pallas_src>
import functools

import jax
import jax.numpy as jnp
from jax import lax
from jax.experimental import pallas as pl
from jax.experimental.pallas import tpu as pltpu
from jax.experimental.pallas import tpu_sc as plsc

NC = 2
NS = 16
NW = NC * NS


def _sc_scatter_add(h, src, dst, n, d, e):
    e_per_w = e // NW
    chunk = 80
    n_chunks = e_per_w // chunk
    npad = ((n + NS * 8 - 1) // (NS * 8)) * (NS * 8)
    rows_per_tile = npad // NS
    zrows = 128
    n_zcopies = rows_per_tile // zrows

    mesh = plsc.VectorSubcoreMesh(core_axis_name="c", subcore_axis_name="s")

    @functools.partial(
        pl.kernel,
        out_type=jax.ShapeDtypeStruct((NC * npad, d), jnp.float32),
        mesh=mesh,
        scratch_types=[
            pltpu.VMEM((chunk,), jnp.int32),
            pltpu.VMEM((chunk,), jnp.int32),
            pltpu.VMEM((chunk, d), jnp.float32),
            pltpu.VMEM((zrows, d), jnp.float32),
            pltpu.VMEM_SHARED((npad, d), jnp.float32),
            pltpu.SemaphoreType.DMA,
        ],
    )
    def k(h_hbm, src_hbm, dst_hbm, out_hbm, sidx, didx, rows, zbuf, acc, sem):
        c = lax.axis_index("c")
        s = lax.axis_index("s")
        wid = c * NS + s

        zero16 = jnp.zeros((16,), jnp.float32)

        @pl.loop(0, zrows * (d // 16))
        def _(i):
            r = i // (d // 16)
            j = (i % (d // 16)) * 16
            zbuf[r, pl.ds(j, 16)] = zero16

        @pl.loop(0, n_zcopies)
        def _(t):
            pltpu.sync_copy(zbuf, acc.at[pl.ds(s * rows_per_tile + t * zrows, zrows)])

        plsc.subcore_barrier()

        ebase = wid * e_per_w

        @pl.loop(0, n_chunks)
        def _(kk):
            off = ebase + kk * chunk
            pltpu.sync_copy(src_hbm.at[pl.ds(off, chunk)], sidx)
            pltpu.sync_copy(dst_hbm.at[pl.ds(off, chunk)], didx)
            pltpu.async_copy(h_hbm.at[sidx], rows, sem).wait()
            pltpu.sync_copy(rows, acc.at[didx], add=True)

        plsc.subcore_barrier()

        rbase = s * rows_per_tile
        pltpu.sync_copy(
            acc.at[pl.ds(rbase, rows_per_tile)],
            out_hbm.at[pl.ds(c * npad + rbase, rows_per_tile)],
        )

    return k(h, src, dst), npad


def _tc_layer(part, h, scale, w1, b1, w2, b2, gamma, beta, n, d, npad):

    def body(part_ref, h_ref, scale_ref, w1_ref, b1_ref, w2_ref, b2_ref,
             g_ref, be_ref, out_ref, cs_ref):
        pooled = (part_ref[pl.ds(0, n), :] + part_ref[pl.ds(npad, n), :]
                  + scale_ref[...] * h_ref[...])
        hmid = jnp.dot(pooled, w1_ref[...], preferred_element_type=jnp.float32)
        hmid = jnp.maximum(hmid + b1_ref[...], 0.0)
        rep = jnp.dot(hmid, w2_ref[...], preferred_element_type=jnp.float32)
        rep = rep + b2_ref[...]
        m = jnp.mean(rep, axis=0, keepdims=True)
        v = jnp.mean((rep - m) * (rep - m), axis=0, keepdims=True)
        hn = (rep - m) * jax.lax.rsqrt(v + 1e-5) * g_ref[...] + be_ref[...]
        hn = jnp.maximum(hn, 0.0)
        out_ref[...] = hn
        cs_ref[...] = jnp.sum(hn, axis=0, keepdims=True)

    return pl.pallas_call(
        body,
        out_shape=[
            jax.ShapeDtypeStruct((n, d), jnp.float32),
            jax.ShapeDtypeStruct((1, d), jnp.float32),
        ],
    )(part, h, scale, w1, b1, w2, b2, gamma, beta)


def _tc_readout(x, colsums, pred_w, pred_b, n, d, num_layers):
    def body(x_ref, cs_ref, pw_ref, pb_ref, out_ref):
        acc = jnp.dot(jnp.sum(x_ref[...], axis=0, keepdims=True), pw_ref[0],
                      preferred_element_type=jnp.float32)
        for l in range(1, num_layers):
            acc = acc + jnp.dot(cs_ref[pl.ds(l - 1, 1), :], pw_ref[l],
                                preferred_element_type=jnp.float32)
        acc = acc + jnp.sum(pb_ref[...], axis=0, keepdims=True)
        out_ref[...] = acc

    return pl.pallas_call(
        body,
        out_shape=jax.ShapeDtypeStruct((1, d), jnp.float32),
    )(x, colsums, pred_w, pred_b)


def kernel(x, edge_index, eps, mlp_w1, mlp_b1, mlp_w2, mlp_b2,
           bn_gamma, bn_beta, pred_w, pred_b):
    n, d = x.shape
    e = edge_index.shape[1]
    num_layers = pred_w.shape[0]
    L = eps.shape[0]

    src = edge_index[0]
    dst = edge_index[1]

    h = x
    colsums = []
    for layer in range(L):
        part, npad = _sc_scatter_add(h, src, dst, n, d, e)
        scale = (1.0 + eps[layer]).reshape(1, 1)
        h, cs = _tc_layer(
            part, h, scale,
            mlp_w1[layer], mlp_b1[layer].reshape(1, d),
            mlp_w2[layer], mlp_b2[layer].reshape(1, d),
            bn_gamma[layer].reshape(1, d), bn_beta[layer].reshape(1, d),
            n, d, npad,
        )
        colsums.append(cs)

    cs_all = jnp.concatenate(colsums, axis=0)
    return _tc_readout(x, cs_all, pred_w, pred_b, n, d, num_layers)

# --- scband reference (transcript-rebuilt; emitter-appended) ---
"""Pipeline reference for scband-gin-78091095376035 (READ-ONLY COPY).

The authoritative reference and input builder live on the scoring server;
editing this copy changes nothing except your own understanding.
"""

import jax, jax.numpy as jnp
import numpy as np

N = 10000
E = 320000
D = 128
NUM_LAYERS = 5  # num_layers; num_layers-1 = 4 message-passing layers


def setup_inputs(seed: int = 0) -> dict:
    key = jax.random.key(seed)
    ks = jax.random.split(key, 12)
    x = jax.random.normal(ks[0], (N, D), dtype=jnp.float32)
    edge_index = jax.random.randint(ks[1], (2, E), 0, N, dtype=jnp.int32)
    L = NUM_LAYERS - 1
    eps = jnp.zeros((L,), dtype=jnp.float32)  # learn_eps=True, init zeros
    mlp_w1 = jax.random.normal(ks[2], (L, D, D), dtype=jnp.float32) * 0.05
    mlp_b1 = jnp.zeros((L, D), dtype=jnp.float32)
    mlp_w2 = jax.random.normal(ks[3], (L, D, D), dtype=jnp.float32) * 0.05
    mlp_b2 = jnp.zeros((L, D), dtype=jnp.float32)
    bn_gamma = jnp.ones((L, D), dtype=jnp.float32)
    bn_beta = jnp.zeros((L, D), dtype=jnp.float32)
    pred_w = jax.random.normal(ks[4], (NUM_LAYERS, D, D), dtype=jnp.float32) * 0.05
    pred_b = jnp.zeros((NUM_LAYERS, D), dtype=jnp.float32)
    return {"x": x, "edge_index": edge_index, "eps": eps,
            "mlp_w1": mlp_w1, "mlp_b1": mlp_b1, "mlp_w2": mlp_w2, "mlp_b2": mlp_b2,
            "bn_gamma": bn_gamma, "bn_beta": bn_beta,
            "pred_w": pred_w, "pred_b": pred_b}


def _batchnorm(h, gamma, beta):
    m = jnp.mean(h, axis=0, keepdims=True)
    v = jnp.var(h, axis=0, keepdims=True)
    return (h - m) / jnp.sqrt(v + 1e-5) * gamma + beta


def reference(x, edge_index, eps, mlp_w1, mlp_b1, mlp_w2, mlp_b2, bn_gamma, bn_beta, pred_w, pred_b):
    # GIN with neighbor_pooling_type='sum', graph_pooling_type='sum', learn_eps=True.
    # Batch is a single large graph; Adj_block @ h is a scatter-add over edges.
    src = edge_index[0]
    dst = edge_index[1]
    hidden_rep = [x]
    h = x
    L = eps.shape[0]
    for layer in range(L):
        # pooled = spmm(Adj_block, h): sum of neighbor features
        pooled = jnp.zeros_like(h).at[dst].add(h[src])
        pooled = pooled + (1.0 + eps[layer]) * h
        # MLP (num_mlp_layers=2): linear -> relu -> linear
        hmid = jax.nn.relu(pooled @ mlp_w1[layer] + mlp_b1[layer])
        pooled_rep = hmid @ mlp_w2[layer] + mlp_b2[layer]
        # outer batchnorm + relu
        h = jax.nn.relu(_batchnorm(pooled_rep, bn_gamma[layer], bn_beta[layer]))
        hidden_rep.append(h)
    # graph pooling (sum over all nodes; single graph -> [1, D]) + jumping-knowledge readout
    score = jnp.zeros((1, pred_w.shape[2]), dtype=jnp.float32)
    for layer, hh in enumerate(hidden_rep):
        pooled_h = jnp.sum(hh, axis=0, keepdims=True)
        score = score + (pooled_h @ pred_w[layer] + pred_b[layer])  # dropout in eval mode (identity)
    return score

if __name__ == "__main__":
    import jax
    _d = setup_inputs()
    print(jax.jit(kernel)(*tuple(_d.values())))

</pallas_src>

<mosaic_0001>
#map = affine_map<(d0, d1) -> (0, 0)>
#map1 = affine_map<(d0, d1) -> (0)>
module attributes {stable_mosaic.version = 14 : i64} {
  func.func @k(%arg0: i32, %arg1: i32, %arg2: memref<10000x128xf32, #tpu.memory_space<hbm>>, %arg3: memref<320000xi32, #tpu.memory_space<hbm>>, %arg4: memref<320000xi32, #tpu.memory_space<hbm>>, %arg5: memref<20224x128xf32, #tpu.memory_space<hbm>>, %arg6: memref<80xi32, #tpu.memory_space<vmem>>, %arg7: memref<80xi32, #tpu.memory_space<vmem>>, %arg8: memref<80x128xf32, #tpu.memory_space<vmem>>, %arg9: memref<128x128xf32, #tpu.memory_space<vmem>>, %arg10: memref<10112x128xf32, #tpu.memory_space<vmem_shared>>, %arg11: memref<!tpu.dma_semaphore, #tpu.memory_space<semaphore_mem>>) attributes {dimension_semantics = [#tpu.dimension_semantics<core_parallel>, #tpu.dimension_semantics<subcore_parallel>], iteration_bounds = array<i64: 2, 16>, scalar_prefetch = 0 : i64, scratch_operands = 6 : i64, tpu.core_type = #tpu.core_type<sc_vector_subcore>, window_params = [{transform_indices = #map}, {transform_indices = #map1}, {transform_indices = #map1}, {transform_indices = #map}]} {
    %mul3A = arith.constant 16 : i32
    %mul3A_0 = arith.muli %arg0, %mul3A : i32
    %add3A = arith.addi %mul3A_0, %arg1 : i32
    %broadcast_in_dim3A = arith.constant 0.000000e+00 : f32
    %broadcast_in_dim3A_1 = vector.broadcast %broadcast_in_dim3A : f32 to vector<16xf32>
    %scan3A = arith.constant 0 : i32
    %scan3A_2 = arith.constant 1024 : i32
    %scan3A_3 = arith.addi %scan3A, %scan3A_2 : i32
    %scan3A_4 = arith.constant 1 : i32
    scf.for %scan3A_24 = %scan3A to %scan3A_3 step %scan3A_4  : i32 {
      %mul3A_25 = arith.constant 1 : i32
      %mul3A_26 = arith.muli %scan3A_24, %mul3A_25 : i32
      %add3A_27 = arith.constant 0 : i32
      %add3A_28 = arith.addi %add3A_27, %mul3A_26 : i32
      %jit3A = arith.constant 8 : i32
      %div3A = arith.divsi %add3A_28, %jit3A : i32
      %sign3A = arith.constant 0 : i32
      %sign3A_29 = arith.cmpi sgt, %add3A_28, %sign3A : i32
      %sign3A_30 = arith.extui %sign3A_29 : i1 to i32
      %sign3A_31 = arith.constant 0 : i32
      %sign3A_32 = arith.cmpi slt, %add3A_28, %sign3A_31 : i32
      %sign3A_33 = arith.extui %sign3A_32 : i1 to i32
      %sign3A_34 = arith.subi %sign3A_30, %sign3A_33 : i32
      %sign3A_35 = arith.constant 0 : i32
      %sign3A_36 = arith.cmpi sgt, %jit3A, %sign3A_35 : i32
      %sign3A_37 = arith.extui %sign3A_36 : i1 to i32
      %sign3A_38 = arith.constant 0 : i32
      %sign3A_39 = arith.cmpi slt, %jit3A, %sign3A_38 : i32
      %sign3A_40 = arith.extui %sign3A_39 : i1 to i32
      %sign3A_41 = arith.subi %sign3A_37, %sign3A_40 : i32
      %ne3A = arith.cmpi ne, %sign3A_34, %sign3A_41 : i32
      %rem3A = arith.remsi %add3A_28, %jit3A : i32
      %ne3A_42 = arith.constant 0 : i32
      %ne3A_43 = arith.cmpi ne, %rem3A, %ne3A_42 : i32
      %and3A = arith.andi %ne3A, %ne3A_43 : i1
      %sub3A = arith.constant 1 : i32
      %sub3A_44 = arith.subi %div3A, %sub3A : i32
      %select_n3A = arith.select %and3A, %sub3A_44, %div3A : i32
      %jit3A_45 = arith.constant 8 : i32
      %eq3A = arith.constant 0 : i32
      %eq3A_46 = arith.cmpi eq, %jit3A_45, %eq3A : i32
      %jit3A_47 = arith.constant 1 : i32
      %select_n3A_48 = arith.select %eq3A_46, %jit3A_47, %jit3A_45 : i32
      %rem3A_49 = arith.remsi %add3A_28, %select_n3A_48 : i32
      %ne3A_50 = arith.constant 0 : i32
      %ne3A_51 = arith.cmpi ne, %rem3A_49, %ne3A_50 : i32
      %lt3A = arith.constant 0 : i32
      %lt3A_52 = arith.cmpi slt, %rem3A_49, %lt3A : i32
      %lt3A_53 = arith.constant 0 : i32
      %lt3A_54 = arith.cmpi slt, %select_n3A_48, %lt3A_53 : i32
      %ne3A_55 = arith.xori %lt3A_52, %lt3A_54 : i1
      %and3A_56 = arith.andi %ne3A_55, %ne3A_51 : i1
      %add3A_57 = arith.addi %rem3A_49, %select_n3A_48 : i32
      %select_n3A_58 = arith.select %and3A_56, %add3A_57, %rem3A_49 : i32
      %mul3A_59 = arith.constant 16 : i32
      %mul3A_60 = arith.muli %select_n3A_58, %mul3A_59 : i32
      %swap3A = arith.index_cast %select_n3A : i32 to index
      %swap3A_61 = arith.index_cast %mul3A_60 : i32 to index
      %swap3A_62 = tpu.vector_load %arg9[%swap3A, %swap3A_61] {strides = array<i32>} : memref<128x128xf32, #tpu.memory_space<vmem>>, vector<1x16xf32>,
      %swap3A_63 = vector.shape_cast %swap3A_62 : vector<1x16xf32> to vector<16xf32>
      %swap3A_64 = vector.shape_cast %broadcast_in_dim3A_1 : vector<16xf32> to vector<1x16xf32>
      tpu.vector_store %arg9[%swap3A, %swap3A_61], %swap3A_64 {strides = array<i32>} : memref<128x128xf32, #tpu.memory_space<vmem>>, vector<1x16xf32>,
    }
    %scan3A_5 = arith.constant 1024 : i32
    %scan3A_6 = arith.constant 0 : i32
    %scan3A_7 = arith.constant 4 : i32
    %scan3A_8 = arith.addi %scan3A_6, %scan3A_7 : i32
    %scan3A_9 = arith.constant 1 : i32
    scf.for %scan3A_24 = %scan3A_6 to %scan3A_8 step %scan3A_9  : i32 {
      %mul3A_25 = arith.constant 1 : i32
      %mul3A_26 = arith.muli %scan3A_24, %mul3A_25 : i32
      %add3A_27 = arith.constant 0 : i32
      %add3A_28 = arith.addi %add3A_27, %mul3A_26 : i32
      %mul3A_29 = arith.constant 632 : i32
      %mul3A_30 = arith.muli %arg1, %mul3A_29 : i32
      %mul3A_31 = arith.constant 128 : i32
      %mul3A_32 = arith.muli %add3A_28, %mul3A_31 : i32
      %add3A_33 = arith.addi %mul3A_30, %mul3A_32 : i32
      "tpu.region"() ({
        %run_scoped3A = tpu.sem_alloc : memref<!tpu.dma_semaphore, #tpu.memory_space<semaphore_mem>>
        %dma_start3A = arith.constant 0 : i32
        %dma_start3A_34 = tpu.memref_slice %arg10[%add3A_33, %dma_start3A] : memref<10112x128xf32, #tpu.memory_space<vmem_shared>> -> memref<128x128xf32, #tpu.memory_space<vmem_shared>>
        %dma_start3A_35 = arith.constant 0 : i32
        %dma_start3A_36 = tpu.memref_slice %arg10[%add3A_33, %dma_start3A_35] : memref<10112x128xf32, #tpu.memory_space<vmem_shared>> -> memref<128x128xf32, #tpu.memory_space<vmem_shared>>
        tpu.enqueue_dma source(%arg9 : memref<128x128xf32, #tpu.memory_space<vmem>>) target(%dma_start3A_36 : memref<128x128xf32, #tpu.memory_space<vmem_shared>>) target_semaphore(%run_scoped3A : memref<!tpu.dma_semaphore, #tpu.memory_space<semaphore_mem>>)
        %dma_wait3A = arith.constant 0 : i32
        %dma_wait3A_37 = tpu.memref_slice %arg10[%add3A_33, %dma_wait3A] : memref<10112x128xf32, #tpu.memory_space<vmem_shared>> -> memref<128x128xf32, #tpu.memory_space<vmem_shared>>
        %dma_wait3A_38 = arith.constant 0 : i32
        %dma_wait3A_39 = tpu.memref_slice %arg10[%add3A_33, %dma_wait3A_38] : memref<10112x128xf32, #tpu.memory_space<vmem_shared>> -> memref<128x128xf32, #tpu.memory_space<vmem_shared>>
        tpu.wait_dma2 semaphore(%run_scoped3A : memref<!tpu.dma_semaphore, #tpu.memory_space<semaphore_mem>>) src(%arg9 : memref<128x128xf32, #tpu.memory_space<vmem>>) dst(%dma_wait3A_39 : memref<128x128xf32, #tpu.memory_space<vmem_shared>>)
        tpu.yield
      }) : () -> ()
    }
    %scan3A_10 = arith.constant 4 : i32
    %barrier3A = arith.constant 0 : index
    tpu.barrier barrier_id(%barrier3A)
    %mul3A_11 = arith.constant 10000 : i32
    %mul3A_12 = arith.muli %add3A, %mul3A_11 : i32
    %scan3A_13 = arith.constant 0 : i32
    %scan3A_14 = arith.constant 125 : i32
    %scan3A_15 = arith.addi %scan3A_13, %scan3A_14 : i32
    %scan3A_16 = arith.constant 1 : i32
    scf.for %scan3A_24 = %scan3A_13 to %scan3A_15 step %scan3A_16  : i32 {
      %mul3A_25 = arith.constant 1 : i32
      %mul3A_26 = arith.muli %scan3A_24, %mul3A_25 : i32
      %add3A_27 = arith.constant 0 : i32
      %add3A_28 = arith.addi %add3A_27, %mul3A_26 : i32
      %mul3A_29 = arith.constant 80 : i32
      %mul3A_30 = arith.muli %add3A_28, %mul3A_29 : i32
      %add3A_31 = arith.addi %mul3A_12, %mul3A_30 : i32
      "tpu.region"() ({
        %run_scoped3A = tpu.sem_alloc : memref<!tpu.dma_semaphore, #tpu.memory_space<semaphore_mem>>
        %dma_start3A_36 = tpu.memref_slice %arg3[%add3A_31] : memref<320000xi32, #tpu.memory_space<hbm>> -> memref<80xi32, #tpu.memory_space<hbm>>
        %dma_start3A_37 = tpu.memref_slice %arg3[%add3A_31] : memref<320000xi32, #tpu.memory_space<hbm>> -> memref<80xi32, #tpu.memory_space<hbm>>
        tpu.enqueue_dma source(%dma_start3A_37 : memref<80xi32, #tpu.memory_space<hbm>>) target(%arg6 : memref<80xi32, #tpu.memory_space<vmem>>) target_semaphore(%run_scoped3A : memref<!tpu.dma_semaphore, #tpu.memory_space<semaphore_mem>>)
        %dma_wait3A_38 = tpu.memref_slice %arg3[%add3A_31] : memref<320000xi32, #tpu.memory_space<hbm>> -> memref<80xi32, #tpu.memory_space<hbm>>
        %dma_wait3A_39 = tpu.memref_slice %arg3[%add3A_31] : memref<320000xi32, #tpu.memory_space<hbm>> -> memref<80xi32, #tpu.memory_space<hbm>>
        tpu.wait_dma2 semaphore(%run_scoped3A : memref<!tpu.dma_semaphore, #tpu.memory_space<semaphore_mem>>) src(%dma_wait3A_39 : memref<80xi32, #tpu.memory_space<hbm>>) dst(%arg6 : memref<80xi32, #tpu.memory_space<vmem>>)
        tpu.yield
      }) : () -> ()
      "tpu.region"() ({
        %run_scoped3A = tpu.sem_alloc : memref<!tpu.dma_semaphore, #tpu.memory_space<semaphore_mem>>
        %dma_start3A_36 = tpu.memref_slice %arg4[%add3A_31] : memref<320000xi32, #tpu.memory_space<hbm>> -> memref<80xi32, #tpu.memory_space<hbm>>
        %dma_start3A_37 = tpu.memref_slice %arg4[%add3A_31] : memref<320000xi32, #tpu.memory_space<hbm>> -> memref<80xi32, #tpu.memory_space<hbm>>
        tpu.enqueue_dma source(%dma_start3A_37 : memref<80xi32, #tpu.memory_space<hbm>>) target(%arg7 : memref<80xi32, #tpu.memory_space<vmem>>) target_semaphore(%run_scoped3A : memref<!tpu.dma_semaphore, #tpu.memory_space<semaphore_mem>>)
        %dma_wait3A_38 = tpu.memref_slice %arg4[%add3A_31] : memref<320000xi32, #tpu.memory_space<hbm>> -> memref<80xi32, #tpu.memory_space<hbm>>
        %dma_wait3A_39 = tpu.memref_slice %arg4[%add3A_31] : memref<320000xi32, #tpu.memory_space<hbm>> -> memref<80xi32, #tpu.memory_space<hbm>>
        tpu.wait_dma2 semaphore(%run_scoped3A : memref<!tpu.dma_semaphore, #tpu.memory_space<semaphore_mem>>) src(%dma_wait3A_39 : memref<80xi32, #tpu.memory_space<hbm>>) dst(%arg7 : memref<80xi32, #tpu.memory_space<vmem>>)
        tpu.yield
      }) : () -> ()
      %dma_start3A = arith.constant 0 : i32
      %dma_start3A_32 = arith.constant 0 : i32
      %dma_start3A_33 = tpu.memref_slice %arg2[%dma_start3A, %dma_start3A_32] : memref<10000x128xf32, #tpu.memory_space<hbm>> -> memref<10000x128xf32, #tpu.memory_space<hbm>>
      tpu.enqueue_indirect_dma source(%dma_start3A_33 : memref<10000x128xf32, #tpu.memory_space<hbm>>) target(%arg8 : memref<80x128xf32, #tpu.memory_space<vmem>>) offsets(%arg6 : memref<80xi32, #tpu.memory_space<vmem>>) semaphore(%arg11 : memref<!tpu.dma_semaphore, #tpu.memory_space<semaphore_mem>>)
      %dma_wait3A = arith.constant 0 : i32
      %dma_wait3A_34 = arith.constant 0 : i32
      %dma_wait3A_35 = tpu.memref_slice %arg2[%dma_wait3A, %dma_wait3A_34] : memref<10000x128xf32, #tpu.memory_space<hbm>> -> memref<10000x128xf32, #tpu.memory_space<hbm>>
      tpu.wait_indirect_dma semaphore(%arg11 : memref<!tpu.dma_semaphore, #tpu.memory_space<semaphore_mem>>) src(%dma_wait3A_35 : memref<10000x128xf32, #tpu.memory_space<hbm>>) dst(%arg8 : memref<80x128xf32, #tpu.memory_space<vmem>>)
      "tpu.region"() ({
        %run_scoped3A = tpu.sem_alloc : memref<!tpu.dma_semaphore, #tpu.memory_space<semaphore_mem>>
        %dma_start3A_36 = arith.constant 0 : i32
        %dma_start3A_37 = arith.constant 0 : i32
        %dma_start3A_38 = tpu.memref_slice %arg10[%dma_start3A_36, %dma_start3A_37] : memref<10112x128xf32, #tpu.memory_space<vmem_shared>> -> memref<10112x128xf32, #tpu.memory_space<vmem_shared>>
        tpu.enqueue_indirect_dma source(%arg8 : memref<80x128xf32, #tpu.memory_space<vmem>>) target(%dma_start3A_38 : memref<10112x128xf32, #tpu.memory_space<vmem_shared>>) offsets(%arg7 : memref<80xi32, #tpu.memory_space<vmem>>) semaphore(%run_scoped3A : memref<!tpu.dma_semaphore, #tpu.memory_space<semaphore_mem>>) {add = true}
        %dma_wait3A_39 = arith.constant 0 : i32
        %dma_wait3A_40 = arith.constant 0 : i32
        %dma_wait3A_41 = tpu.memref_slice %arg10[%dma_wait3A_39, %dma_wait3A_40] : memref<10112x128xf32, #tpu.memory_space<vmem_shared>> -> memref<10112x128xf32, #tpu.memory_space<vmem_shared>>
        tpu.wait_indirect_dma semaphore(%run_scoped3A : memref<!tpu.dma_semaphore, #tpu.memory_space<semaphore_mem>>) src(%arg8 : memref<80x128xf32, #tpu.memory_space<vmem>>) dst(%dma_wait3A_41 : memref<10112x128xf32, #tpu.memory_space<vmem_shared>>)
        tpu.yield
      }) : () -> ()
    }
    %scan3A_17 = arith.constant 125 : i32
    %barrier3A_18 = arith.constant 0 : index
    tpu.barrier barrier_id(%barrier3A_18)
    %mul3A_19 = arith.constant 632 : i32
    %mul3A_20 = arith.muli %arg1, %mul3A_19 : i32
    %mul3A_21 = arith.constant 10112 : i32
    %mul3A_22 = arith.muli %arg0, %mul3A_21 : i32
    %add3A_23 = arith.addi %mul3A_22, %mul3A_20 : i32
    "tpu.region"() ({
      %run_scoped3A = tpu.sem_alloc : memref<!tpu.dma_semaphore, #tpu.memory_space<semaphore_mem>>
      %dma_start3A = arith.constant 0 : i32
      %dma_start3A_24 = tpu.memref_slice %arg5[%add3A_23, %dma_start3A] : memref<20224x128xf32, #tpu.memory_space<hbm>> -> memref<632x128xf32, #tpu.memory_space<hbm>>
      %dma_start3A_25 = arith.constant 0 : i32
      %dma_start3A_26 = tpu.memref_slice %arg10[%mul3A_20, %dma_start3A_25] : memref<10112x128xf32, #tpu.memory_space<vmem_shared>> -> memref<632x128xf32, #tpu.memory_space<vmem_shared>>
      tpu.enqueue_dma source(%dma_start3A_26 : memref<632x128xf32, #tpu.memory_space<vmem_shared>>) target(%dma_start3A_24 : memref<632x128xf32, #tpu.memory_space<hbm>>) target_semaphore(%run_scoped3A : memref<!tpu.dma_semaphore, #tpu.memory_space<semaphore_mem>>)
      %dma_wait3A = arith.constant 0 : i32
      %dma_wait3A_27 = tpu.memref_slice %arg5[%add3A_23, %dma_wait3A] : memref<20224x128xf32, #tpu.memory_space<hbm>> -> memref<632x128xf32, #tpu.memory_space<hbm>>
      %dma_wait3A_28 = arith.constant 0 : i32
      %dma_wait3A_29 = tpu.memref_slice %arg10[%mul3A_20, %dma_wait3A_28] : memref<10112x128xf32, #tpu.memory_space<vmem_shared>> -> memref<632x128xf32, #tpu.memory_space<vmem_shared>>
      tpu.wait_dma2 semaphore(%run_scoped3A : memref<!tpu.dma_semaphore, #tpu.memory_space<semaphore_mem>>) src(%dma_wait3A_29 : memref<632x128xf32, #tpu.memory_space<vmem_shared>>) dst(%dma_wait3A_27 : memref<632x128xf32, #tpu.memory_space<hbm>>)
      tpu.yield
    }) : () -> ()
    return
  }
}

#map = affine_map<(d0, d1) -> (0, 0)>
#map1 = affine_map<(d0, d1) -> (0)>
module attributes {stable_mosaic.version = 14 : i64} {
  func.func @k(%arg0: i32, %arg1: i32, %arg2: memref<10000x128xf32, #tpu.memory_space<hbm>>, %arg3: memref<320000xi32, #tpu.memory_space<hbm>>, %arg4: memref<320000xi32, #tpu.memory_space<hbm>>, %arg5: memref<20224x128xf32, #tpu.memory_space<hbm>>, %arg6: memref<80xi32, #tpu.memory_space<vmem>>, %arg7: memref<80xi32, #tpu.memory_space<vmem>>, %arg8: memref<80x128xf32, #tpu.memory_space<vmem>>, %arg9: memref<128x128xf32, #tpu.memory_space<vmem>>, %arg10: memref<10112x128xf32, #tpu.memory_space<vmem_shared>>, %arg11: memref<!tpu.dma_semaphore, #tpu.memory_space<semaphore_mem>>) attributes {dimension_semantics = [#tpu.dimension_semantics<core_parallel>, #tpu.dimension_semantics<subcore_parallel>], iteration_bounds = array<i64: 2, 16>, scalar_prefetch = 0 : i64, scratch_operands = 6 : i64, tpu.core_type = #tpu.core_type<sc_vector_subcore>, window_params = [{transform_indices = #map}, {transform_indices = #map1}, {transform_indices = #map1}, {transform_indices = #map}]} {
    %mul3A = arith.constant 16 : i32
    %mul3A_0 = arith.muli %arg0, %mul3A : i32
    %add3A = arith.addi %mul3A_0, %arg1 : i32
    %broadcast_in_dim3A = arith.constant 0.000000e+00 : f32
    %broadcast_in_dim3A_1 = vector.broadcast %broadcast_in_dim3A : f32 to vector<16xf32>
    %scan3A = arith.constant 0 : i32
    %scan3A_2 = arith.constant 1024 : i32
    %scan3A_3 = arith.addi %scan3A, %scan3A_2 : i32
    %scan3A_4 = arith.constant 1 : i32
    scf.for %scan3A_24 = %scan3A to %scan3A_3 step %scan3A_4  : i32 {
      %mul3A_25 = arith.constant 1 : i32
      %mul3A_26 = arith.muli %scan3A_24, %mul3A_25 : i32
      %add3A_27 = arith.constant 0 : i32
      %add3A_28 = arith.addi %add3A_27, %mul3A_26 : i32
      %jit3A = arith.constant 8 : i32
      %div3A = arith.divsi %add3A_28, %jit3A : i32
      %sign3A = arith.constant 0 : i32
      %sign3A_29 = arith.cmpi sgt, %add3A_28, %sign3A : i32
      %sign3A_30 = arith.extui %sign3A_29 : i1 to i32
      %sign3A_31 = arith.constant 0 : i32
      %sign3A_32 = arith.cmpi slt, %add3A_28, %sign3A_31 : i32
      %sign3A_33 = arith.extui %sign3A_32 : i1 to i32
      %sign3A_34 = arith.subi %sign3A_30, %sign3A_33 : i32
      %sign3A_35 = arith.constant 0 : i32
      %sign3A_36 = arith.cmpi sgt, %jit3A, %sign3A_35 : i32
      %sign3A_37 = arith.extui %sign3A_36 : i1 to i32
      %sign3A_38 = arith.constant 0 : i32
      %sign3A_39 = arith.cmpi slt, %jit3A, %sign3A_38 : i32
      %sign3A_40 = arith.extui %sign3A_39 : i1 to i32
      %sign3A_41 = arith.subi %sign3A_37, %sign3A_40 : i32
      %ne3A = arith.cmpi ne, %sign3A_34, %sign3A_41 : i32
      %rem3A = arith.remsi %add3A_28, %jit3A : i32
      %ne3A_42 = arith.constant 0 : i32
      %ne3A_43 = arith.cmpi ne, %rem3A, %ne3A_42 : i32
      %and3A = arith.andi %ne3A, %ne3A_43 : i1
      %sub3A = arith.constant 1 : i32
      %sub3A_44 = arith.subi %div3A, %sub3A : i32
      %select_n3A = arith.select %and3A, %sub3A_44, %div3A : i32
      %jit3A_45 = arith.constant 8 : i32
      %eq3A = arith.constant 0 : i32
      %eq3A_46 = arith.cmpi eq, %jit3A_45, %eq3A : i32
      %jit3A_47 = arith.constant 1 : i32
      %select_n3A_48 = arith.select %eq3A_46, %jit3A_47, %jit3A_45 : i32
      %rem3A_49 = arith.remsi %add3A_28, %select_n3A_48 : i32
      %ne3A_50 = arith.constant 0 : i32
      %ne3A_51 = arith.cmpi ne, %rem3A_49, %ne3A_50 : i32
      %lt3A = arith.constant 0 : i32
      %lt3A_52 = arith.cmpi slt, %rem3A_49, %lt3A : i32
      %lt3A_53 = arith.constant 0 : i32
      %lt3A_54 = arith.cmpi slt, %select_n3A_48, %lt3A_53 : i32
      %ne3A_55 = arith.xori %lt3A_52, %lt3A_54 : i1
      %and3A_56 = arith.andi %ne3A_55, %ne3A_51 : i1
      %add3A_57 = arith.addi %rem3A_49, %select_n3A_48 : i32
      %select_n3A_58 = arith.select %and3A_56, %add3A_57, %rem3A_49 : i32
      %mul3A_59 = arith.constant 16 : i32
      %mul3A_60 = arith.muli %select_n3A_58, %mul3A_59 : i32
      %swap3A = arith.index_cast %select_n3A : i32 to index
      %swap3A_61 = arith.index_cast %mul3A_60 : i32 to index
      %swap3A_62 = tpu.vector_load %arg9[%swap3A, %swap3A_61] {strides = array<i32>} : memref<128x128xf32, #tpu.memory_space<vmem>>, vector<1x16xf32>,
      %swap3A_63 = vector.shape_cast %swap3A_62 : vector<1x16xf32> to vector<16xf32>
      %swap3A_64 = vector.shape_cast %broadcast_in_dim3A_1 : vector<16xf32> to vector<1x16xf32>
      tpu.vector_store %arg9[%swap3A, %swap3A_61], %swap3A_64 {strides = array<i32>} : memref<128x128xf32, #tpu.memory_space<vmem>>, vector<1x16xf32>,
    }
    %scan3A_5 = arith.constant 1024 : i32
    %scan3A_6 = arith.constant 0 : i32
    %scan3A_7 = arith.constant 4 : i32
    %scan3A_8 = arith.addi %scan3A_6, %scan3A_7 : i32
    %scan3A_9 = arith.constant 1 : i32
    scf.for %scan3A_24 = %scan3A_6 to %scan3A_8 step %scan3A_9  : i32 {
      %mul3A_25 = arith.constant 1 : i32
      %mul3A_26 = arith.muli %scan3A_24, %mul3A_25 : i32
      %add3A_27 = arith.constant 0 : i32
      %add3A_28 = arith.addi %add3A_27, %mul3A_26 : i32
      %mul3A_29 = arith.constant 632 : i32
      %mul3A_30 = arith.muli %arg1, %mul3A_29 : i32
      %mul3A_31 = arith.constant 128 : i32
      %mul3A_32 = arith.muli %add3A_28, %mul3A_31 : i32
      %add3A_33 = arith.addi %mul3A_30, %mul3A_32 : i32
      "tpu.region"() ({
        %run_scoped3A = tpu.sem_alloc : memref<!tpu.dma_semaphore, #tpu.memory_space<semaphore_mem>>
        %dma_start3A = arith.constant 0 : i32
        %dma_start3A_34 = tpu.memref_slice %arg10[%add3A_33, %dma_start3A] : memref<10112x128xf32, #tpu.memory_space<vmem_shared>> -> memref<128x128xf32, #tpu.memory_space<vmem_shared>>
        %dma_start3A_35 = arith.constant 0 : i32
        %dma_start3A_36 = tpu.memref_slice %arg10[%add3A_33, %dma_start3A_35] : memref<10112x128xf32, #tpu.memory_space<vmem_shared>> -> memref<128x128xf32, #tpu.memory_space<vmem_shared>>
        tpu.enqueue_dma source(%arg9 : memref<128x128xf32, #tpu.memory_space<vmem>>) target(%dma_start3A_36 : memref<128x128xf32, #tpu.memory_space<vmem_shared>>) target_semaphore(%run_scoped3A : memref<!tpu.dma_semaphore, #tpu.memory_space<semaphore_mem>>)
        %dma_wait3A = arith.constant 0 : i32
        %dma_wait3A_37 = tpu.memref_slice %arg10[%add3A_33, %dma_wait3A] : memref<10112x128xf32, #tpu.memory_space<vmem_shared>> -> memref<128x128xf32, #tpu.memory_space<vmem_shared>>
        %dma_wait3A_38 = arith.constant 0 : i32
        %dma_wait3A_39 = tpu.memref_slice %arg10[%add3A_33, %dma_wait3A_38] : memref<10112x128xf32, #tpu.memory_space<vmem_shared>> -> memref<128x128xf32, #tpu.memory_space<vmem_shared>>
        tpu.wait_dma2 semaphore(%run_scoped3A : memref<!tpu.dma_semaphore, #tpu.memory_space<semaphore_mem>>) src(%arg9 : memref<128x128xf32, #tpu.memory_space<vmem>>) dst(%dma_wait3A_39 : memref<128x128xf32, #tpu.memory_space<vmem_shared>>)
        tpu.yield
      }) : () -> ()
    }
    %scan3A_10 = arith.constant 4 : i32
    %barrier3A = arith.constant 0 : index
    tpu.barrier barrier_id(%barrier3A)
    %mul3A_11 = arith.constant 10000 : i32
    %mul3A_12 = arith.muli %add3A, %mul3A_11 : i32
    %scan3A_13 = arith.constant 0 : i32
    %scan3A_14 = arith.constant 125 : i32
    %scan3A_15 = arith.addi %scan3A_13, %scan3A_14 : i32
    %scan3A_16 = arith.constant 1 : i32
    scf.for %scan3A_24 = %scan3A_13 to %scan3A_15 step %scan3A_16  : i32 {
      %mul3A_25 = arith.constant 1 : i32
      %mul3A_26 = arith.muli %scan3A_24, %mul3A_25 : i32
      %add3A_27 = arith.constant 0 : i32
      %add3A_28 = arith.addi %add3A_27, %mul3A_26 : i32
      %mul3A_29 = arith.constant 80 : i32
      %mul3A_30 = arith.muli %add3A_28, %mul3A_29 : i32
      %add3A_31 = arith.addi %mul3A_12, %mul3A_30 : i32
      "tpu.region"() ({
        %run_scoped3A = tpu.sem_alloc : memref<!tpu.dma_semaphore, #tpu.memory_space<semaphore_mem>>
        %dma_start3A_36 = tpu.memref_slice %arg3[%add3A_31] : memref<320000xi32, #tpu.memory_space<hbm>> -> memref<80xi32, #tpu.memory_space<hbm>>
        %dma_start3A_37 = tpu.memref_slice %arg3[%add3A_31] : memref<320000xi32, #tpu.memory_space<hbm>> -> memref<80xi32, #tpu.memory_space<hbm>>
        tpu.enqueue_dma source(%dma_start3A_37 : memref<80xi32, #tpu.memory_space<hbm>>) target(%arg6 : memref<80xi32, #tpu.memory_space<vmem>>) target_semaphore(%run_scoped3A : memref<!tpu.dma_semaphore, #tpu.memory_space<semaphore_mem>>)
        %dma_wait3A_38 = tpu.memref_slice %arg3[%add3A_31] : memref<320000xi32, #tpu.memory_space<hbm>> -> memref<80xi32, #tpu.memory_space<hbm>>
        %dma_wait3A_39 = tpu.memref_slice %arg3[%add3A_31] : memref<320000xi32, #tpu.memory_space<hbm>> -> memref<80xi32, #tpu.memory_space<hbm>>
        tpu.wait_dma2 semaphore(%run_scoped3A : memref<!tpu.dma_semaphore, #tpu.memory_space<semaphore_mem>>) src(%dma_wait3A_39 : memref<80xi32, #tpu.memory_space<hbm>>) dst(%arg6 : memref<80xi32, #tpu.memory_space<vmem>>)
        tpu.yield
      }) : () -> ()
      "tpu.region"() ({
        %run_scoped3A = tpu.sem_alloc : memref<!tpu.dma_semaphore, #tpu.memory_space<semaphore_mem>>
        %dma_start3A_36 = tpu.memref_slice %arg4[%add3A_31] : memref<320000xi32, #tpu.memory_space<hbm>> -> memref<80xi32, #tpu.memory_space<hbm>>
        %dma_start3A_37 = tpu.memref_slice %arg4[%add3A_31] : memref<320000xi32, #tpu.memory_space<hbm>> -> memref<80xi32, #tpu.memory_space<hbm>>
        tpu.enqueue_dma source(%dma_start3A_37 : memref<80xi32, #tpu.memory_space<hbm>>) target(%arg7 : memref<80xi32, #tpu.memory_space<vmem>>) target_semaphore(%run_scoped3A : memref<!tpu.dma_semaphore, #tpu.memory_space<semaphore_mem>>)
        %dma_wait3A_38 = tpu.memref_slice %arg4[%add3A_31] : memref<320000xi32, #tpu.memory_space<hbm>> -> memref<80xi32, #tpu.memory_space<hbm>>
        %dma_wait3A_39 = tpu.memref_slice %arg4[%add3A_31] : memref<320000xi32, #tpu.memory_space<hbm>> -> memref<80xi32, #tpu.memory_space<hbm>>
        tpu.wait_dma2 semaphore(%run_scoped3A : memref<!tpu.dma_semaphore, #tpu.memory_space<semaphore_mem>>) src(%dma_wait3A_39 : memref<80xi32, #tpu.memory_space<hbm>>) dst(%arg7 : memref<80xi32, #tpu.memory_space<vmem>>)
        tpu.yield
      }) : () -> ()
      %dma_start3A = arith.constant 0 : i32
      %dma_start3A_32 = arith.constant 0 : i32
      %dma_start3A_33 = tpu.memref_slice %arg2[%dma_start3A, %dma_start3A_32] : memref<10000x128xf32, #tpu.memory_space<hbm>> -> memref<10000x128xf32, #tpu.memory_space<hbm>>
      tpu.enqueue_indirect_dma source(%dma_start3A_33 : memref<10000x128xf32, #tpu.memory_space<hbm>>) target(%arg8 : memref<80x128xf32, #tpu.memory_space<vmem>>) offsets(%arg6 : memref<80xi32, #tpu.memory_space<vmem>>) semaphore(%arg11 : memref<!tpu.dma_semaphore, #tpu.memory_space<semaphore_mem>>)
      %dma_wait3A = arith.constant 0 : i32
      %dma_wait3A_34 = arith.constant 0 : i32
      %dma_wait3A_35 = tpu.memref_slice %arg2[%dma_wait3A, %dma_wait3A_34] : memref<10000x128xf32, #tpu.memory_space<hbm>> -> memref<10000x128xf32, #tpu.memory_space<hbm>>
      tpu.wait_indirect_dma semaphore(%arg11 : memref<!tpu.dma_semaphore, #tpu.memory_space<semaphore_mem>>) src(%dma_wait3A_35 : memref<10000x128xf32, #tpu.memory_space<hbm>>) dst(%arg8 : memref<80x128xf32, #tpu.memory_space<vmem>>)
      "tpu.region"() ({
        %run_scoped3A = tpu.sem_alloc : memref<!tpu.dma_semaphore, #tpu.memory_space<semaphore_mem>>
        %dma_start3A_36 = arith.constant 0 : i32
        %dma_start3A_37 = arith.constant 0 : i32
        %dma_start3A_38 = tpu.memref_slice %arg10[%dma_start3A_36, %dma_start3A_37] : memref<10112x128xf32, #tpu.memory_space<vmem_shared>> -> memref<10112x128xf32, #tpu.memory_space<vmem_shared>>
        tpu.enqueue_indirect_dma source(%arg8 : memref<80x128xf32, #tpu.memory_space<vmem>>) target(%dma_start3A_38 : memref<10112x128xf32, #tpu.memory_space<vmem_shared>>) offsets(%arg7 : memref<80xi32, #tpu.memory_space<vmem>>) semaphore(%run_scoped3A : memref<!tpu.dma_semaphore, #tpu.memory_space<semaphore_mem>>) {add = true}
        %dma_wait3A_39 = arith.constant 0 : i32
        %dma_wait3A_40 = arith.constant 0 : i32
        %dma_wait3A_41 = tpu.memref_slice %arg10[%dma_wait3A_39, %dma_wait3A_40] : memref<10112x128xf32, #tpu.memory_space<vmem_shared>> -> memref<10112x128xf32, #tpu.memory_space<vmem_shared>>
        tpu.wait_indirect_dma semaphore(%run_scoped3A : memref<!tpu.dma_semaphore, #tpu.memory_space<semaphore_mem>>) src(%arg8 : memref<80x128xf32, #tpu.memory_space<vmem>>) dst(%dma_wait3A_41 : memref<10112x128xf32, #tpu.memory_space<vmem_shared>>)
        tpu.yield
      }) : () -> ()
    }
    %scan3A_17 = arith.constant 125 : i32
    %barrier3A_18 = arith.constant 0 : index
    tpu.barrier barrier_id(%barrier3A_18)
    %mul3A_19 = arith.constant 632 : i32
    %mul3A_20 = arith.muli %arg1, %mul3A_19 : i32
    %mul3A_21 = arith.constant 10112 : i32
    %mul3A_22 = arith.muli %arg0, %mul3A_21 : i32
    %add3A_23 = arith.addi %mul3A_22, %mul3A_20 : i32
    "tpu.region"() ({
      %run_scoped3A = tpu.sem_alloc : memref<!tpu.dma_semaphore, #tpu.memory_space<semaphore_mem>>
      %dma_start3A = arith.constant 0 : i32
      %dma_start3A_24 = tpu.memref_slice %arg5[%add3A_23, %dma_start3A] : memref<20224x128xf32, #tpu.memory_space<hbm>> -> memref<632x128xf32, #tpu.memory_space<hbm>>
      %dma_start3A_25 = arith.constant 0 : i32
      %dma_start3A_26 = tpu.memref_slice %arg10[%mul3A_20, %dma_start3A_25] : memref<10112x128xf32, #tpu.memory_space<vmem_shared>> -> memref<632x128xf32, #tpu.memory_space<vmem_shared>>
      tpu.enqueue_dma source(%dma_start3A_26 : memref<632x128xf32, #tpu.memory_space<vmem_shared>>) target(%dma_start3A_24 : memref<632x128xf32, #tpu.memory_space<hbm>>) target_semaphore(%run_scoped3A : memref<!tpu.dma_semaphore, #tpu.memory_space<semaphore_mem>>)
      %dma_wait3A = arith.constant 0 : i32
      %dma_wait3A_27 = tpu.memref_slice %arg5[%add3A_23, %dma_wait3A] : memref<20224x128xf32, #tpu.memory_space<hbm>> -> memref<632x128xf32, #tpu.memory_space<hbm>>
      %dma_wait3A_28 = arith.constant 0 : i32
      %dma_wait3A_29 = tpu.memref_slice %arg10[%mul3A_20, %dma_wait3A_28] : memref<10112x128xf32, #tpu.memory_space<vmem_shared>> -> memref<632x128xf32, #tpu.memory_space<vmem_shared>>
      tpu.wait_dma2 semaphore(%run_scoped3A : memref<!tpu.dma_semaphore, #tpu.memory_space<semaphore_mem>>) src(%dma_wait3A_29 : memref<632x128xf32, #tpu.memory_space<vmem_shared>>) dst(%dma_wait3A_27 : memref<632x128xf32, #tpu.memory_space<hbm>>)
      tpu.yield
    }) : () -> ()
    return
  }
}

#map = affine_map<(d0, d1) -> (0, 0)>
#map1 = affine_map<(d0, d1) -> (0)>
module attributes {stable_mosaic.version = 14 : i64} {
  func.func @k(%arg0: i32, %arg1: i32, %arg2: memref<10000x128xf32, #tpu.memory_space<hbm>>, %arg3: memref<320000xi32, #tpu.memory_space<hbm>>, %arg4: memref<320000xi32, #tpu.memory_space<hbm>>, %arg5: memref<20224x128xf32, #tpu.memory_space<hbm>>, %arg6: memref<80xi32, #tpu.memory_space<vmem>>, %arg7: memref<80xi32, #tpu.memory_space<vmem>>, %arg8: memref<80x128xf32, #tpu.memory_space<vmem>>, %arg9: memref<128x128xf32, #tpu.memory_space<vmem>>, %arg10: memref<10112x128xf32, #tpu.memory_space<vmem_shared>>, %arg11: memref<!tpu.dma_semaphore, #tpu.memory_space<semaphore_mem>>) attributes {dimension_semantics = [#tpu.dimension_semantics<core_parallel>, #tpu.dimension_semantics<subcore_parallel>], iteration_bounds = array<i64: 2, 16>, scalar_prefetch = 0 : i64, scratch_operands = 6 : i64, tpu.core_type = #tpu.core_type<sc_vector_subcore>, window_params = [{transform_indices = #map}, {transform_indices = #map1}, {transform_indices = #map1}, {transform_indices = #map}]} {
    %mul3A = arith.constant 16 : i32
    %mul3A_0 = arith.muli %arg0, %mul3A : i32
    %add3A = arith.addi %mul3A_0, %arg1 : i32
    %broadcast_in_dim3A = arith.constant 0.000000e+00 : f32
    %broadcast_in_dim3A_1 = vector.broadcast %broadcast_in_dim3A : f32 to vector<16xf32>
    %scan3A = arith.constant 0 : i32
    %scan3A_2 = arith.constant 1024 : i32
    %scan3A_3 = arith.addi %scan3A, %scan3A_2 : i32
    %scan3A_4 = arith.constant 1 : i32
    scf.for %scan3A_24 = %scan3A to %scan3A_3 step %scan3A_4  : i32 {
      %mul3A_25 = arith.constant 1 : i32
      %mul3A_26 = arith.muli %scan3A_24, %mul3A_25 : i32
      %add3A_27 = arith.constant 0 : i32
      %add3A_28 = arith.addi %add3A_27, %mul3A_26 : i32
      %jit3A = arith.constant 8 : i32
      %div3A = arith.divsi %add3A_28, %jit3A : i32
      %sign3A = arith.constant 0 : i32
      %sign3A_29 = arith.cmpi sgt, %add3A_28, %sign3A : i32
      %sign3A_30 = arith.extui %sign3A_29 : i1 to i32
      %sign3A_31 = arith.constant 0 : i32
      %sign3A_32 = arith.cmpi slt, %add3A_28, %sign3A_31 : i32
      %sign3A_33 = arith.extui %sign3A_32 : i1 to i32
      %sign3A_34 = arith.subi %sign3A_30, %sign3A_33 : i32
      %sign3A_35 = arith.constant 0 : i32
      %sign3A_36 = arith.cmpi sgt, %jit3A, %sign3A_35 : i32
      %sign3A_37 = arith.extui %sign3A_36 : i1 to i32
      %sign3A_38 = arith.constant 0 : i32
      %sign3A_39 = arith.cmpi slt, %jit3A, %sign3A_38 : i32
      %sign3A_40 = arith.extui %sign3A_39 : i1 to i32
      %sign3A_41 = arith.subi %sign3A_37, %sign3A_40 : i32
      %ne3A = arith.cmpi ne, %sign3A_34, %sign3A_41 : i32
      %rem3A = arith.remsi %add3A_28, %jit3A : i32
      %ne3A_42 = arith.constant 0 : i32
      %ne3A_43 = arith.cmpi ne, %rem3A, %ne3A_42 : i32
      %and3A = arith.andi %ne3A, %ne3A_43 : i1
      %sub3A = arith.constant 1 : i32
      %sub3A_44 = arith.subi %div3A, %sub3A : i32
      %select_n3A = arith.select %and3A, %sub3A_44, %div3A : i32
      %jit3A_45 = arith.constant 8 : i32
      %eq3A = arith.constant 0 : i32
      %eq3A_46 = arith.cmpi eq, %jit3A_45, %eq3A : i32
      %jit3A_47 = arith.constant 1 : i32
      %select_n3A_48 = arith.select %eq3A_46, %jit3A_47, %jit3A_45 : i32
      %rem3A_49 = arith.remsi %add3A_28, %select_n3A_48 : i32
      %ne3A_50 = arith.constant 0 : i32
      %ne3A_51 = arith.cmpi ne, %rem3A_49, %ne3A_50 : i32
      %lt3A = arith.constant 0 : i32
      %lt3A_52 = arith.cmpi slt, %rem3A_49, %lt3A : i32
      %lt3A_53 = arith.constant 0 : i32
      %lt3A_54 = arith.cmpi slt, %select_n3A_48, %lt3A_53 : i32
      %ne3A_55 = arith.xori %lt3A_52, %lt3A_54 : i1
      %and3A_56 = arith.andi %ne3A_55, %ne3A_51 : i1
      %add3A_57 = arith.addi %rem3A_49, %select_n3A_48 : i32
      %select_n3A_58 = arith.select %and3A_56, %add3A_57, %rem3A_49 : i32
      %mul3A_59 = arith.constant 16 : i32
      %mul3A_60 = arith.muli %select_n3A_58, %mul3A_59 : i32
      %swap3A = arith.index_cast %select_n3A : i32 to index
      %swap3A_61 = arith.index_cast %mul3A_60 : i32 to index
      %swap3A_62 = tpu.vector_load %arg9[%swap3A, %swap3A_61] {strides = array<i32>} : memref<128x128xf32, #tpu.memory_space<vmem>>, vector<1x16xf32>,
      %swap3A_63 = vector.shape_cast %swap3A_62 : vector<1x16xf32> to vector<16xf32>
      %swap3A_64 = vector.shape_cast %broadcast_in_dim3A_1 : vector<16xf32> to vector<1x16xf32>
      tpu.vector_store %arg9[%swap3A, %swap3A_61], %swap3A_64 {strides = array<i32>} : memref<128x128xf32, #tpu.memory_space<vmem>>, vector<1x16xf32>,
    }
    %scan3A_5 = arith.constant 1024 : i32
    %scan3A_6 = arith.constant 0 : i32
    %scan3A_7 = arith.constant 4 : i32
    %scan3A_8 = arith.addi %scan3A_6, %scan3A_7 : i32
    %scan3A_9 = arith.constant 1 : i32
    scf.for %scan3A_24 = %scan3A_6 to %scan3A_8 step %scan3A_9  : i32 {
      %mul3A_25 = arith.constant 1 : i32
      %mul3A_26 = arith.muli %scan3A_24, %mul3A_25 : i32
      %add3A_27 = arith.constant 0 : i32
      %add3A_28 = arith.addi %add3A_27, %mul3A_26 : i32
      %mul3A_29 = arith.constant 632 : i32
      %mul3A_30 = arith.muli %arg1, %mul3A_29 : i32
      %mul3A_31 = arith.constant 128 : i32
      %mul3A_32 = arith.muli %add3A_28, %mul3A_31 : i32
      %add3A_33 = arith.addi %mul3A_30, %mul3A_32 : i32
      "tpu.region"() ({
        %run_scoped3A = tpu.sem_alloc : memref<!tpu.dma_semaphore, #tpu.memory_space<semaphore_mem>>
        %dma_start3A = arith.constant 0 : i32
        %dma_start3A_34 = tpu.memref_slice %arg10[%add3A_33, %dma_start3A] : memref<10112x128xf32, #tpu.memory_space<vmem_shared>> -> memref<128x128xf32, #tpu.memory_space<vmem_shared>>
        %dma_start3A_35 = arith.constant 0 : i32
        %dma_start3A_36 = tpu.memref_slice %arg10[%add3A_33, %dma_start3A_35] : memref<10112x128xf32, #tpu.memory_space<vmem_shared>> -> memref<128x128xf32, #tpu.memory_space<vmem_shared>>
        tpu.enqueue_dma source(%arg9 : memref<128x128xf32, #tpu.memory_space<vmem>>) target(%dma_start3A_36 : memref<128x128xf32, #tpu.memory_space<vmem_shared>>) target_semaphore(%run_scoped3A : memref<!tpu.dma_semaphore, #tpu.memory_space<semaphore_mem>>)
        %dma_wait3A = arith.constant 0 : i32
        %dma_wait3A_37 = tpu.memref_slice %arg10[%add3A_33, %dma_wait3A] : memref<10112x128xf32, #tpu.memory_space<vmem_shared>> -> memref<128x128xf32, #tpu.memory_space<vmem_shared>>
        %dma_wait3A_38 = arith.constant 0 : i32
        %dma_wait3A_39 = tpu.memref_slice %arg10[%add3A_33, %dma_wait3A_38] : memref<10112x128xf32, #tpu.memory_space<vmem_shared>> -> memref<128x128xf32, #tpu.memory_space<vmem_shared>>
        tpu.wait_dma2 semaphore(%run_scoped3A : memref<!tpu.dma_semaphore, #tpu.memory_space<semaphore_mem>>) src(%arg9 : memref<128x128xf32, #tpu.memory_space<vmem>>) dst(%dma_wait3A_39 : memref<128x128xf32, #tpu.memory_space<vmem_shared>>)
        tpu.yield
      }) : () -> ()
    }
    %scan3A_10 = arith.constant 4 : i32
    %barrier3A = arith.constant 0 : index
    tpu.barrier barrier_id(%barrier3A)
    %mul3A_11 = arith.constant 10000 : i32
    %mul3A_12 = arith.muli %add3A, %mul3A_11 : i32
    %scan3A_13 = arith.constant 0 : i32
    %scan3A_14 = arith.constant 125 : i32
    %scan3A_15 = arith.addi %scan3A_13, %scan3A_14 : i32
    %scan3A_16 = arith.constant 1 : i32
    scf.for %scan3A_24 = %scan3A_13 to %scan3A_15 step %scan3A_16  : i32 {
      %mul3A_25 = arith.constant 1 : i32
      %mul3A_26 = arith.muli %scan3A_24, %mul3A_25 : i32
      %add3A_27 = arith.constant 0 : i32
      %add3A_28 = arith.addi %add3A_27, %mul3A_26 : i32
      %mul3A_29 = arith.constant 80 : i32
      %mul3A_30 = arith.muli %add3A_28, %mul3A_29 : i32
      %add3A_31 = arith.addi %mul3A_12, %mul3A_30 : i32
      "tpu.region"() ({
        %run_scoped3A = tpu.sem_alloc : memref<!tpu.dma_semaphore, #tpu.memory_space<semaphore_mem>>
        %dma_start3A_36 = tpu.memref_slice %arg3[%add3A_31] : memref<320000xi32, #tpu.memory_space<hbm>> -> memref<80xi32, #tpu.memory_space<hbm>>
        %dma_start3A_37 = tpu.memref_slice %arg3[%add3A_31] : memref<320000xi32, #tpu.memory_space<hbm>> -> memref<80xi32, #tpu.memory_space<hbm>>
        tpu.enqueue_dma source(%dma_start3A_37 : memref<80xi32, #tpu.memory_space<hbm>>) target(%arg6 : memref<80xi32, #tpu.memory_space<vmem>>) target_semaphore(%run_scoped3A : memref<!tpu.dma_semaphore, #tpu.memory_space<semaphore_mem>>)
        %dma_wait3A_38 = tpu.memref_slice %arg3[%add3A_31] : memref<320000xi32, #tpu.memory_space<hbm>> -> memref<80xi32, #tpu.memory_space<hbm>>
        %dma_wait3A_39 = tpu.memref_slice %arg3[%add3A_31] : memref<320000xi32, #tpu.memory_space<hbm>> -> memref<80xi32, #tpu.memory_space<hbm>>
        tpu.wait_dma2 semaphore(%run_scoped3A : memref<!tpu.dma_semaphore, #tpu.memory_space<semaphore_mem>>) src(%dma_wait3A_39 : memref<80xi32, #tpu.memory_space<hbm>>) dst(%arg6 : memref<80xi32, #tpu.memory_space<vmem>>)
        tpu.yield
      }) : () -> ()
      "tpu.region"() ({
        %run_scoped3A = tpu.sem_alloc : memref<!tpu.dma_semaphore, #tpu.memory_space<semaphore_mem>>
        %dma_start3A_36 = tpu.memref_slice %arg4[%add3A_31] : memref<320000xi32, #tpu.memory_space<hbm>> -> memref<80xi32, #tpu.memory_space<hbm>>
        %dma_start3A_37 = tpu.memref_slice %arg4[%add3A_31] : memref<320000xi32, #tpu.memory_space<hbm>> -> memref<80xi32, #tpu.memory_space<hbm>>
        tpu.enqueue_dma source(%dma_start3A_37 : memref<80xi32, #tpu.memory_space<hbm>>) target(%arg7 : memref<80xi32, #tpu.memory_space<vmem>>) target_semaphore(%run_scoped3A : memref<!tpu.dma_semaphore, #tpu.memory_space<semaphore_mem>>)
        %dma_wait3A_38 = tpu.memref_slice %arg4[%add3A_31] : memref<320000xi32, #tpu.memory_space<hbm>> -> memref<80xi32, #tpu.memory_space<hbm>>
        %dma_wait3A_39 = tpu.memref_slice %arg4[%add3A_31] : memref<320000xi32, #tpu.memory_space<hbm>> -> memref<80xi32, #tpu.memory_space<hbm>>
        tpu.wait_dma2 semaphore(%run_scoped3A : memref<!tpu.dma_semaphore, #tpu.memory_space<semaphore_mem>>) src(%dma_wait3A_39 : memref<80xi32, #tpu.memory_space<hbm>>) dst(%arg7 : memref<80xi32, #tpu.memory_space<vmem>>)
        tpu.yield
      }) : () -> ()
      %dma_start3A = arith.constant 0 : i32
      %dma_start3A_32 = arith.constant 0 : i32
      %dma_start3A_33 = tpu.memref_slice %arg2[%dma_start3A, %dma_start3A_32] : memref<10000x128xf32, #tpu.memory_space<hbm>> -> memref<10000x128xf32, #tpu.memory_space<hbm>>
      tpu.enqueue_indirect_dma source(%dma_start3A_33 : memref<10000x128xf32, #tpu.memory_space<hbm>>) target(%arg8 : memref<80x128xf32, #tpu.memory_space<vmem>>) offsets(%arg6 : memref<80xi32, #tpu.memory_space<vmem>>) semaphore(%arg11 : memref<!tpu.dma_semaphore, #tpu.memory_space<semaphore_mem>>)
      %dma_wait3A = arith.constant 0 : i32
      %dma_wait3A_34 = arith.constant 0 : i32
      %dma_wait3A_35 = tpu.memref_slice %arg2[%dma_wait3A, %dma_wait3A_34] : memref<10000x128xf32, #tpu.memory_space<hbm>> -> memref<10000x128xf32, #tpu.memory_space<hbm>>
      tpu.wait_indirect_dma semaphore(%arg11 : memref<!tpu.dma_semaphore, #tpu.memory_space<semaphore_mem>>) src(%dma_wait3A_35 : memref<10000x128xf32, #tpu.memory_space<hbm>>) dst(%arg8 : memref<80x128xf32, #tpu.memory_space<vmem>>)
      "tpu.region"() ({
        %run_scoped3A = tpu.sem_alloc : memref<!tpu.dma_semaphore, #tpu.memory_space<semaphore_mem>>
        %dma_start3A_36 = arith.constant 0 : i32
        %dma_start3A_37 = arith.constant 0 : i32
        %dma_start3A_38 = tpu.memref_slice %arg10[%dma_start3A_36, %dma_start3A_37] : memref<10112x128xf32, #tpu.memory_space<vmem_shared>> -> memref<10112x128xf32, #tpu.memory_space<vmem_shared>>
        tpu.enqueue_indirect_dma source(%arg8 : memref<80x128xf32, #tpu.memory_space<vmem>>) target(%dma_start3A_38 : memref<10112x128xf32, #tpu.memory_space<vmem_shared>>) offsets(%arg7 : memref<80xi32, #tpu.memory_space<vmem>>) semaphore(%run_scoped3A : memref<!tpu.dma_semaphore, #tpu.memory_space<semaphore_mem>>) {add = true}
        %dma_wait3A_39 = arith.constant 0 : i32
        %dma_wait3A_40 = arith.constant 0 : i32
        %dma_wait3A_41 = tpu.memref_slice %arg10[%dma_wait3A_39, %dma_wait3A_40] : memref<10112x128xf32, #tpu.memory_space<vmem_shared>> -> memref<10112x128xf32, #tpu.memory_space<vmem_shared>>
        tpu.wait_indirect_dma semaphore(%run_scoped3A : memref<!tpu.dma_semaphore, #tpu.memory_space<semaphore_mem>>) src(%arg8 : memref<80x128xf32, #tpu.memory_space<vmem>>) dst(%dma_wait3A_41 : memref<10112x128xf32, #tpu.memory_space<vmem_shared>>)
        tpu.yield
      }) : () -> ()
    }
    %scan3A_17 = arith.constant 125 : i32
    %barrier3A_18 = arith.constant 0 : index
    tpu.barrier barrier_id(%barrier3A_18)
    %mul3A_19 = arith.constant 632 : i32
    %mul3A_20 = arith.muli %arg1, %mul3A_19 : i32
    %mul3A_21 = arith.constant 10112 : i32
    %mul3A_22 = arith.muli %arg0, %mul3A_21 : i32
    %add3A_23 = arith.addi %mul3A_22, %mul3A_20 : i32
    "tpu.region"() ({
      %run_scoped3A = tpu.sem_alloc : memref<!tpu.dma_semaphore, #tpu.memory_space<semaphore_mem>>
      %dma_start3A = arith.constant 0 : i32
      %dma_start3A_24 = tpu.memref_slice %arg5[%add3A_23, %dma_start3A] : memref<20224x128xf32, #tpu.memory_space<hbm>> -> memref<632x128xf32, #tpu.memory_space<hbm>>
      %dma_start3A_25 = arith.constant 0 : i32
      %dma_start3A_26 = tpu.memref_slice %arg10[%mul3A_20, %dma_start3A_25] : memref<10112x128xf32, #tpu.memory_space<vmem_shared>> -> memref<632x128xf32, #tpu.memory_space<vmem_shared>>
      tpu.enqueue_dma source(%dma_start3A_26 : memref<632x128xf32, #tpu.memory_space<vmem_shared>>) target(%dma_start3A_24 : memref<632x128xf32, #tpu.memory_space<hbm>>) target_semaphore(%run_scoped3A : memref<!tpu.dma_semaphore, #tpu.memory_space<semaphore_mem>>)
      %dma_wait3A = arith.constant 0 : i32
      %dma_wait3A_27 = tpu.memref_slice %arg5[%add3A_23, %dma_wait3A] : memref<20224x128xf32, #tpu.memory_space<hbm>> -> memref<632x128xf32, #tpu.memory_space<hbm>>
      %dma_wait3A_28 = arith.constant 0 : i32
      %dma_wait3A_29 = tpu.memref_slice %arg10[%mul3A_20, %dma_wait3A_28] : memref<10112x128xf32, #tpu.memory_space<vmem_shared>> -> memref<632x128xf32, #tpu.memory_space<vmem_shared>>
      tpu.wait_dma2 semaphore(%run_scoped3A : memref<!tpu.dma_semaphore, #tpu.memory_space<semaphore_mem>>) src(%dma_wait3A_29 : memref<632x128xf32, #tpu.memory_space<vmem_shared>>) dst(%dma_wait3A_27 : memref<632x128xf32, #tpu.memory_space<hbm>>)
      tpu.yield
    }) : () -> ()
    return
  }
}

#map = affine_map<(d0, d1) -> (0, 0)>
#map1 = affine_map<(d0, d1) -> (0)>
module attributes {stable_mosaic.version = 14 : i64} {
  func.func @k(%arg0: i32, %arg1: i32, %arg2: memref<10000x128xf32, #tpu.memory_space<hbm>>, %arg3: memref<320000xi32, #tpu.memory_space<hbm>>, %arg4: memref<320000xi32, #tpu.memory_space<hbm>>, %arg5: memref<20224x128xf32, #tpu.memory_space<hbm>>, %arg6: memref<80xi32, #tpu.memory_space<vmem>>, %arg7: memref<80xi32, #tpu.memory_space<vmem>>, %arg8: memref<80x128xf32, #tpu.memory_space<vmem>>, %arg9: memref<128x128xf32, #tpu.memory_space<vmem>>, %arg10: memref<10112x128xf32, #tpu.memory_space<vmem_shared>>, %arg11: memref<!tpu.dma_semaphore, #tpu.memory_space<semaphore_mem>>) attributes {dimension_semantics = [#tpu.dimension_semantics<core_parallel>, #tpu.dimension_semantics<subcore_parallel>], iteration_bounds = array<i64: 2, 16>, scalar_prefetch = 0 : i64, scratch_operands = 6 : i64, tpu.core_type = #tpu.core_type<sc_vector_subcore>, window_params = [{transform_indices = #map}, {transform_indices = #map1}, {transform_indices = #map1}, {transform_indices = #map}]} {
    %mul3A = arith.constant 16 : i32
    %mul3A_0 = arith.muli %arg0, %mul3A : i32
    %add3A = arith.addi %mul3A_0, %arg1 : i32
    %broadcast_in_dim3A = arith.constant 0.000000e+00 : f32
    %broadcast_in_dim3A_1 = vector.broadcast %broadcast_in_dim3A : f32 to vector<16xf32>
    %scan3A = arith.constant 0 : i32
    %scan3A_2 = arith.constant 1024 : i32
    %scan3A_3 = arith.addi %scan3A, %scan3A_2 : i32
    %scan3A_4 = arith.constant 1 : i32
    scf.for %scan3A_24 = %scan3A to %scan3A_3 step %scan3A_4  : i32 {
      %mul3A_25 = arith.constant 1 : i32
      %mul3A_26 = arith.muli %scan3A_24, %mul3A_25 : i32
      %add3A_27 = arith.constant 0 : i32
      %add3A_28 = arith.addi %add3A_27, %mul3A_26 : i32
      %jit3A = arith.constant 8 : i32
      %div3A = arith.divsi %add3A_28, %jit3A : i32
      %sign3A = arith.constant 0 : i32
      %sign3A_29 = arith.cmpi sgt, %add3A_28, %sign3A : i32
      %sign3A_30 = arith.extui %sign3A_29 : i1 to i32
      %sign3A_31 = arith.constant 0 : i32
      %sign3A_32 = arith.cmpi slt, %add3A_28, %sign3A_31 : i32
      %sign3A_33 = arith.extui %sign3A_32 : i1 to i32
      %sign3A_34 = arith.subi %sign3A_30, %sign3A_33 : i32
      %sign3A_35 = arith.constant 0 : i32
      %sign3A_36 = arith.cmpi sgt, %jit3A, %sign3A_35 : i32
      %sign3A_37 = arith.extui %sign3A_36 : i1 to i32
      %sign3A_38 = arith.constant 0 : i32
      %sign3A_39 = arith.cmpi slt, %jit3A, %sign3A_38 : i32
      %sign3A_40 = arith.extui %sign3A_39 : i1 to i32
      %sign3A_41 = arith.subi %sign3A_37, %sign3A_40 : i32
      %ne3A = arith.cmpi ne, %sign3A_34, %sign3A_41 : i32
      %rem3A = arith.remsi %add3A_28, %jit3A : i32
      %ne3A_42 = arith.constant 0 : i32
      %ne3A_43 = arith.cmpi ne, %rem3A, %ne3A_42 : i32
      %and3A = arith.andi %ne3A, %ne3A_43 : i1
      %sub3A = arith.constant 1 : i32
      %sub3A_44 = arith.subi %div3A, %sub3A : i32
      %select_n3A = arith.select %and3A, %sub3A_44, %div3A : i32
      %jit3A_45 = arith.constant 8 : i32
      %eq3A = arith.constant 0 : i32
      %eq3A_46 = arith.cmpi eq, %jit3A_45, %eq3A : i32
      %jit3A_47 = arith.constant 1 : i32
      %select_n3A_48 = arith.select %eq3A_46, %jit3A_47, %jit3A_45 : i32
      %rem3A_49 = arith.remsi %add3A_28, %select_n3A_48 : i32
      %ne3A_50 = arith.constant 0 : i32
      %ne3A_51 = arith.cmpi ne, %rem3A_49, %ne3A_50 : i32
      %lt3A = arith.constant 0 : i32
      %lt3A_52 = arith.cmpi slt, %rem3A_49, %lt3A : i32
      %lt3A_53 = arith.constant 0 : i32
      %lt3A_54 = arith.cmpi slt, %select_n3A_48, %lt3A_53 : i32
      %ne3A_55 = arith.xori %lt3A_52, %lt3A_54 : i1
      %and3A_56 = arith.andi %ne3A_55, %ne3A_51 : i1
      %add3A_57 = arith.addi %rem3A_49, %select_n3A_48 : i32
      %select_n3A_58 = arith.select %and3A_56, %add3A_57, %rem3A_49 : i32
      %mul3A_59 = arith.constant 16 : i32
      %mul3A_60 = arith.muli %select_n3A_58, %mul3A_59 : i32
      %swap3A = arith.index_cast %select_n3A : i32 to index
      %swap3A_61 = arith.index_cast %mul3A_60 : i32 to index
      %swap3A_62 = tpu.vector_load %arg9[%swap3A, %swap3A_61] {strides = array<i32>} : memref<128x128xf32, #tpu.memory_space<vmem>>, vector<1x16xf32>,
      %swap3A_63 = vector.shape_cast %swap3A_62 : vector<1x16xf32> to vector<16xf32>
      %swap3A_64 = vector.shape_cast %broadcast_in_dim3A_1 : vector<16xf32> to vector<1x16xf32>
      tpu.vector_store %arg9[%swap3A, %swap3A_61], %swap3A_64 {strides = array<i32>} : memref<128x128xf32, #tpu.memory_space<vmem>>, vector<1x16xf32>,
    }
    %scan3A_5 = arith.constant 1024 : i32
    %scan3A_6 = arith.constant 0 : i32
    %scan3A_7 = arith.constant 4 : i32
    %scan3A_8 = arith.addi %scan3A_6, %scan3A_7 : i32
    %scan3A_9 = arith.constant 1 : i32
    scf.for %scan3A_24 = %scan3A_6 to %scan3A_8 step %scan3A_9  : i32 {
      %mul3A_25 = arith.constant 1 : i32
      %mul3A_26 = arith.muli %scan3A_24, %mul3A_25 : i32
      %add3A_27 = arith.constant 0 : i32
      %add3A_28 = arith.addi %add3A_27, %mul3A_26 : i32
      %mul3A_29 = arith.constant 632 : i32
      %mul3A_30 = arith.muli %arg1, %mul3A_29 : i32
      %mul3A_31 = arith.constant 128 : i32
      %mul3A_32 = arith.muli %add3A_28, %mul3A_31 : i32
      %add3A_33 = arith.addi %mul3A_30, %mul3A_32 : i32
      "tpu.region"() ({
        %run_scoped3A = tpu.sem_alloc : memref<!tpu.dma_semaphore, #tpu.memory_space<semaphore_mem>>
        %dma_start3A = arith.constant 0 : i32
        %dma_start3A_34 = tpu.memref_slice %arg10[%add3A_33, %dma_start3A] : memref<10112x128xf32, #tpu.memory_space<vmem_shared>> -> memref<128x128xf32, #tpu.memory_space<vmem_shared>>
        %dma_start3A_35 = arith.constant 0 : i32
        %dma_start3A_36 = tpu.memref_slice %arg10[%add3A_33, %dma_start3A_35] : memref<10112x128xf32, #tpu.memory_space<vmem_shared>> -> memref<128x128xf32, #tpu.memory_space<vmem_shared>>
        tpu.enqueue_dma source(%arg9 : memref<128x128xf32, #tpu.memory_space<vmem>>) target(%dma_start3A_36 : memref<128x128xf32, #tpu.memory_space<vmem_shared>>) target_semaphore(%run_scoped3A : memref<!tpu.dma_semaphore, #tpu.memory_space<semaphore_mem>>)
        %dma_wait3A = arith.constant 0 : i32
        %dma_wait3A_37 = tpu.memref_slice %arg10[%add3A_33, %dma_wait3A] : memref<10112x128xf32, #tpu.memory_space<vmem_shared>> -> memref<128x128xf32, #tpu.memory_space<vmem_shared>>
        %dma_wait3A_38 = arith.constant 0 : i32
        %dma_wait3A_39 = tpu.memref_slice %arg10[%add3A_33, %dma_wait3A_38] : memref<10112x128xf32, #tpu.memory_space<vmem_shared>> -> memref<128x128xf32, #tpu.memory_space<vmem_shared>>
        tpu.wait_dma2 semaphore(%run_scoped3A : memref<!tpu.dma_semaphore, #tpu.memory_space<semaphore_mem>>) src(%arg9 : memref<128x128xf32, #tpu.memory_space<vmem>>) dst(%dma_wait3A_39 : memref<128x128xf32, #tpu.memory_space<vmem_shared>>)
        tpu.yield
      }) : () -> ()
    }
    %scan3A_10 = arith.constant 4 : i32
    %barrier3A = arith.constant 0 : index
    tpu.barrier barrier_id(%barrier3A)
    %mul3A_11 = arith.constant 10000 : i32
    %mul3A_12 = arith.muli %add3A, %mul3A_11 : i32
    %scan3A_13 = arith.constant 0 : i32
    %scan3A_14 = arith.constant 125 : i32
    %scan3A_15 = arith.addi %scan3A_13, %scan3A_14 : i32
    %scan3A_16 = arith.constant 1 : i32
    scf.for %scan3A_24 = %scan3A_13 to %scan3A_15 step %scan3A_16  : i32 {
      %mul3A_25 = arith.constant 1 : i32
      %mul3A_26 = arith.muli %scan3A_24, %mul3A_25 : i32
      %add3A_27 = arith.constant 0 : i32
      %add3A_28 = arith.addi %add3A_27, %mul3A_26 : i32
      %mul3A_29 = arith.constant 80 : i32
      %mul3A_30 = arith.muli %add3A_28, %mul3A_29 : i32
      %add3A_31 = arith.addi %mul3A_12, %mul3A_30 : i32
      "tpu.region"() ({
        %run_scoped3A = tpu.sem_alloc : memref<!tpu.dma_semaphore, #tpu.memory_space<semaphore_mem>>
        %dma_start3A_36 = tpu.memref_slice %arg3[%add3A_31] : memref<320000xi32, #tpu.memory_space<hbm>> -> memref<80xi32, #tpu.memory_space<hbm>>
        %dma_start3A_37 = tpu.memref_slice %arg3[%add3A_31] : memref<320000xi32, #tpu.memory_space<hbm>> -> memref<80xi32, #tpu.memory_space<hbm>>
        tpu.enqueue_dma source(%dma_start3A_37 : memref<80xi32, #tpu.memory_space<hbm>>) target(%arg6 : memref<80xi32, #tpu.memory_space<vmem>>) target_semaphore(%run_scoped3A : memref<!tpu.dma_semaphore, #tpu.memory_space<semaphore_mem>>)
        %dma_wait3A_38 = tpu.memref_slice %arg3[%add3A_31] : memref<320000xi32, #tpu.memory_space<hbm>> -> memref<80xi32, #tpu.memory_space<hbm>>
        %dma_wait3A_39 = tpu.memref_slice %arg3[%add3A_31] : memref<320000xi32, #tpu.memory_space<hbm>> -> memref<80xi32, #tpu.memory_space<hbm>>
        tpu.wait_dma2 semaphore(%run_scoped3A : memref<!tpu.dma_semaphore, #tpu.memory_space<semaphore_mem>>) src(%dma_wait3A_39 : memref<80xi32, #tpu.memory_space<hbm>>) dst(%arg6 : memref<80xi32, #tpu.memory_space<vmem>>)
        tpu.yield
      }) : () -> ()
      "tpu.region"() ({
        %run_scoped3A = tpu.sem_alloc : memref<!tpu.dma_semaphore, #tpu.memory_space<semaphore_mem>>
        %dma_start3A_36 = tpu.memref_slice %arg4[%add3A_31] : memref<320000xi32, #tpu.memory_space<hbm>> -> memref<80xi32, #tpu.memory_space<hbm>>
        %dma_start3A_37 = tpu.memref_slice %arg4[%add3A_31] : memref<320000xi32, #tpu.memory_space<hbm>> -> memref<80xi32, #tpu.memory_space<hbm>>
        tpu.enqueue_dma source(%dma_start3A_37 : memref<80xi32, #tpu.memory_space<hbm>>) target(%arg7 : memref<80xi32, #tpu.memory_space<vmem>>) target_semaphore(%run_scoped3A : memref<!tpu.dma_semaphore, #tpu.memory_space<semaphore_mem>>)
        %dma_wait3A_38 = tpu.memref_slice %arg4[%add3A_31] : memref<320000xi32, #tpu.memory_space<hbm>> -> memref<80xi32, #tpu.memory_space<hbm>>
        %dma_wait3A_39 = tpu.memref_slice %arg4[%add3A_31] : memref<320000xi32, #tpu.memory_space<hbm>> -> memref<80xi32, #tpu.memory_space<hbm>>
        tpu.wait_dma2 semaphore(%run_scoped3A : memref<!tpu.dma_semaphore, #tpu.memory_space<semaphore_mem>>) src(%dma_wait3A_39 : memref<80xi32, #tpu.memory_space<hbm>>) dst(%arg7 : memref<80xi32, #tpu.memory_space<vmem>>)
        tpu.yield
      }) : () -> ()
      %dma_start3A = arith.constant 0 : i32
      %dma_start3A_32 = arith.constant 0 : i32
      %dma_start3A_33 = tpu.memref_slice %arg2[%dma_start3A, %dma_start3A_32] : memref<10000x128xf32, #tpu.memory_space<hbm>> -> memref<10000x128xf32, #tpu.memory_space<hbm>>
      tpu.enqueue_indirect_dma source(%dma_start3A_33 : memref<10000x128xf32, #tpu.memory_space<hbm>>) target(%arg8 : memref<80x128xf32, #tpu.memory_space<vmem>>) offsets(%arg6 : memref<80xi32, #tpu.memory_space<vmem>>) semaphore(%arg11 : memref<!tpu.dma_semaphore, #tpu.memory_space<semaphore_mem>>)
      %dma_wait3A = arith.constant 0 : i32
      %dma_wait3A_34 = arith.constant 0 : i32
      %dma_wait3A_35 = tpu.memref_slice %arg2[%dma_wait3A, %dma_wait3A_34] : memref<10000x128xf32, #tpu.memory_space<hbm>> -> memref<10000x128xf32, #tpu.memory_space<hbm>>
      tpu.wait_indirect_dma semaphore(%arg11 : memref<!tpu.dma_semaphore, #tpu.memory_space<semaphore_mem>>) src(%dma_wait3A_35 : memref<10000x128xf32, #tpu.memory_space<hbm>>) dst(%arg8 : memref<80x128xf32, #tpu.memory_space<vmem>>)
      "tpu.region"() ({
        %run_scoped3A = tpu.sem_alloc : memref<!tpu.dma_semaphore, #tpu.memory_space<semaphore_mem>>
        %dma_start3A_36 = arith.constant 0 : i32
        %dma_start3A_37 = arith.constant 0 : i32
        %dma_start3A_38 = tpu.memref_slice %arg10[%dma_start3A_36, %dma_start3A_37] : memref<10112x128xf32, #tpu.memory_space<vmem_shared>> -> memref<10112x128xf32, #tpu.memory_space<vmem_shared>>
        tpu.enqueue_indirect_dma source(%arg8 : memref<80x128xf32, #tpu.memory_space<vmem>>) target(%dma_start3A_38 : memref<10112x128xf32, #tpu.memory_space<vmem_shared>>) offsets(%arg7 : memref<80xi32, #tpu.memory_space<vmem>>) semaphore(%run_scoped3A : memref<!tpu.dma_semaphore, #tpu.memory_space<semaphore_mem>>) {add = true}
        %dma_wait3A_39 = arith.constant 0 : i32
        %dma_wait3A_40 = arith.constant 0 : i32
        %dma_wait3A_41 = tpu.memref_slice %arg10[%dma_wait3A_39, %dma_wait3A_40] : memref<10112x128xf32, #tpu.memory_space<vmem_shared>> -> memref<10112x128xf32, #tpu.memory_space<vmem_shared>>
        tpu.wait_indirect_dma semaphore(%run_scoped3A : memref<!tpu.dma_semaphore, #tpu.memory_space<semaphore_mem>>) src(%arg8 : memref<80x128xf32, #tpu.memory_space<vmem>>) dst(%dma_wait3A_41 : memref<10112x128xf32, #tpu.memory_space<vmem_shared>>)
        tpu.yield
      }) : () -> ()
    }
    %scan3A_17 = arith.constant 125 : i32
    %barrier3A_18 = arith.constant 0 : index
    tpu.barrier barrier_id(%barrier3A_18)
    %mul3A_19 = arith.constant 632 : i32
    %mul3A_20 = arith.muli %arg1, %mul3A_19 : i32
    %mul3A_21 = arith.constant 10112 : i32
    %mul3A_22 = arith.muli %arg0, %mul3A_21 : i32
    %add3A_23 = arith.addi %mul3A_22, %mul3A_20 : i32
    "tpu.region"() ({
      %run_scoped3A = tpu.sem_alloc : memref<!tpu.dma_semaphore, #tpu.memory_space<semaphore_mem>>
      %dma_start3A = arith.constant 0 : i32
      %dma_start3A_24 = tpu.memref_slice %arg5[%add3A_23, %dma_start3A] : memref<20224x128xf32, #tpu.memory_space<hbm>> -> memref<632x128xf32, #tpu.memory_space<hbm>>
      %dma_start3A_25 = arith.constant 0 : i32
      %dma_start3A_26 = tpu.memref_slice %arg10[%mul3A_20, %dma_start3A_25] : memref<10112x128xf32, #tpu.memory_space<vmem_shared>> -> memref<632x128xf32, #tpu.memory_space<vmem_shared>>
      tpu.enqueue_dma source(%dma_start3A_26 : memref<632x128xf32, #tpu.memory_space<vmem_shared>>) target(%dma_start3A_24 : memref<632x128xf32, #tpu.memory_space<hbm>>) target_semaphore(%run_scoped3A : memref<!tpu.dma_semaphore, #tpu.memory_space<semaphore_mem>>)
      %dma_wait3A = arith.constant 0 : i32
      %dma_wait3A_27 = tpu.memref_slice %arg5[%add3A_23, %dma_wait3A] : memref<20224x128xf32, #tpu.memory_space<hbm>> -> memref<632x128xf32, #tpu.memory_space<hbm>>
      %dma_wait3A_28 = arith.constant 0 : i32
      %dma_wait3A_29 = tpu.memref_slice %arg10[%mul3A_20, %dma_wait3A_28] : memref<10112x128xf32, #tpu.memory_space<vmem_shared>> -> memref<632x128xf32, #tpu.memory_space<vmem_shared>>
      tpu.wait_dma2 semaphore(%run_scoped3A : memref<!tpu.dma_semaphore, #tpu.memory_space<semaphore_mem>>) src(%dma_wait3A_29 : memref<632x128xf32, #tpu.memory_space<vmem_shared>>) dst(%dma_wait3A_27 : memref<632x128xf32, #tpu.memory_space<hbm>>)
      tpu.yield
    }) : () -> ()
    return
  }
}

module attributes {stable_mosaic.version = 14 : i64} {
  func.func @body(%arg0: memref<20224x128xf32, #tpu.memory_space<vmem>>, %arg1: memref<10000x128xf32, #tpu.memory_space<vmem>>, %arg2: memref<1x1xf32, #tpu.memory_space<vmem>>, %arg3: memref<128x128xf32, #tpu.memory_space<vmem>>, %arg4: memref<1x128xf32, #tpu.memory_space<vmem>>, %arg5: memref<128x128xf32, #tpu.memory_space<vmem>>, %arg6: memref<1x128xf32, #tpu.memory_space<vmem>>, %arg7: memref<1x128xf32, #tpu.memory_space<vmem>>, %arg8: memref<1x128xf32, #tpu.memory_space<vmem>>, %arg9: memref<10000x128xf32, #tpu.memory_space<vmem>>, %arg10: memref<1x128xf32, #tpu.memory_space<vmem>>) attributes {dimension_semantics = [], scalar_prefetch = 0 : i64, scratch_operands = 0 : i64, tpu.core_type = #tpu.core_type<tc>} {
    %get3A = arith.constant 0 : index
    %get3A_0 = arith.constant 0 : index
    %get3A_1 = vector.load %arg0[%get3A, %get3A_0] : memref<20224x128xf32, #tpu.memory_space<vmem>>, vector<10000x128xf32>
    %get3A_2 = arith.constant 10112 : index
    %get3A_3 = arith.constant 0 : index
    %get3A_4 = vector.load %arg0[%get3A_2, %get3A_3] : memref<20224x128xf32, #tpu.memory_space<vmem>>, vector<10000x128xf32>
    %add3A = arith.addf %get3A_1, %get3A_4 : vector<10000x128xf32>
    %get3A_5 = arith.constant 0 : index
    %get3A_6 = arith.constant 0 : index
    %get3A_7 = vector.load %arg2[%get3A_5, %get3A_6] : memref<1x1xf32, #tpu.memory_space<vmem>>, vector<1x1xf32>
    %get3A_8 = arith.constant 0 : index
    %get3A_9 = arith.constant 0 : index
    %get3A_10 = vector.load %arg1[%get3A_8, %get3A_9] : memref<10000x128xf32, #tpu.memory_space<vmem>>, vector<10000x128xf32>
    %mul3A = vector.broadcast %get3A_7 : vector<1x1xf32> to vector<10000x128xf32>
    %mul3A_11 = arith.mulf %mul3A, %get3A_10 : vector<10000x128xf32>
    %add3A_12 = arith.addf %add3A, %mul3A_11 : vector<10000x128xf32>
    %get3A_13 = arith.constant 0 : index
    %get3A_14 = arith.constant 0 : index
    %get3A_15 = vector.load %arg3[%get3A_13, %get3A_14] : memref<128x128xf32, #tpu.memory_space<vmem>>, vector<128x128xf32>
    %dot_general3A = arith.constant dense<0.000000e+00> : vector<10000x128xf32>
    %dot_general3A_16 = tpu.matmul %add3A_12, %get3A_15, %dot_general3A {dimension_numbers = #tpu.dot_dimension_numbers<[1], [0], [0], [1], [0, 0, 1, 1], [], []>, transpose_lhs_hint = false} : vector<10000x128xf32>, vector<128x128xf32>, vector<10000x128xf32> -> vector<10000x128xf32>
    %get3A_17 = arith.constant 0 : index
    %get3A_18 = arith.constant 0 : index
    %get3A_19 = vector.load %arg4[%get3A_17, %get3A_18] : memref<1x128xf32, #tpu.memory_space<vmem>>, vector<1x128xf32>
    %add3A_20 = vector.broadcast %get3A_19 : vector<1x128xf32> to vector<10000x128xf32>
    %add3A_21 = arith.addf %dot_general3A_16, %add3A_20 : vector<10000x128xf32>
    %max3A = arith.constant 0.000000e+00 : f32
    %max3A_22 = vector.broadcast %max3A : f32 to vector<10000x128xf32>
    %max3A_23 = arith.maximumf %add3A_21, %max3A_22 : vector<10000x128xf32>
    %get3A_24 = arith.constant 0 : index
    %get3A_25 = arith.constant 0 : index
    %get3A_26 = vector.load %arg5[%get3A_24, %get3A_25] : memref<128x128xf32, #tpu.memory_space<vmem>>, vector<128x128xf32>
    %dot_general3A_27 = arith.constant dense<0.000000e+00> : vector<10000x128xf32>
    %dot_general3A_28 = tpu.matmul %max3A_23, %get3A_26, %dot_general3A_27 {dimension_numbers = #tpu.dot_dimension_numbers<[1], [0], [0], [1], [0, 0, 1, 1], [], []>, transpose_lhs_hint = false} : vector<10000x128xf32>, vector<128x128xf32>, vector<10000x128xf32> -> vector<10000x128xf32>
    %get3A_29 = arith.constant 0 : index
    %get3A_30 = arith.constant 0 : index
    %get3A_31 = vector.load %arg6[%get3A_29, %get3A_30] : memref<1x128xf32, #tpu.memory_space<vmem>>, vector<1x128xf32>
    %add3A_32 = vector.broadcast %get3A_31 : vector<1x128xf32> to vector<10000x128xf32>
    %add3A_33 = arith.addf %dot_general3A_28, %add3A_32 : vector<10000x128xf32>
    %reduce_sum3A = arith.constant dense<0.000000e+00> : vector<128xf32>
    %reduce_sum3A_34 = vector.multi_reduction <add>, %add3A_33, %reduce_sum3A [0] : vector<10000x128xf32> to vector<128xf32>
    %broadcast_in_dim3A = vector.shape_cast %reduce_sum3A_34 : vector<128xf32> to vector<1x128xf32>
    %div3A = arith.constant 1.000000e+04 : f32
    %div3A_35 = vector.broadcast %div3A : f32 to vector<1x128xf32>
    %div3A_36 = arith.divf %broadcast_in_dim3A, %div3A_35 : vector<1x128xf32>
    %sub3A = vector.broadcast %div3A_36 : vector<1x128xf32> to vector<10000x128xf32>
    %sub3A_37 = arith.subf %add3A_33, %sub3A : vector<10000x128xf32>
    %sub3A_38 = vector.broadcast %div3A_36 : vector<1x128xf32> to vector<10000x128xf32>
    %sub3A_39 = arith.subf %add3A_33, %sub3A_38 : vector<10000x128xf32>
    %mul3A_40 = arith.mulf %sub3A_37, %sub3A_39 : vector<10000x128xf32>
    %reduce_sum3A_41 = arith.constant dense<0.000000e+00> : vector<128xf32>
    %reduce_sum3A_42 = vector.multi_reduction <add>, %mul3A_40, %reduce_sum3A_41 [0] : vector<10000x128xf32> to vector<128xf32>
    %broadcast_in_dim3A_43 = vector.shape_cast %reduce_sum3A_42 : vector<128xf32> to vector<1x128xf32>
    %div3A_44 = arith.constant 1.000000e+04 : f32
    %div3A_45 = vector.broadcast %div3A_44 : f32 to vector<1x128xf32>
    %div3A_46 = arith.divf %broadcast_in_dim3A_43, %div3A_45 : vector<1x128xf32>
    %sub3A_47 = vector.broadcast %div3A_36 : vector<1x128xf32> to vector<10000x128xf32>
    %sub3A_48 = arith.subf %add3A_33, %sub3A_47 : vector<10000x128xf32>
    %add3A_49 = arith.constant 9.99999974E-6 : f32
    %add3A_50 = vector.broadcast %add3A_49 : f32 to vector<1x128xf32>
    %add3A_51 = arith.addf %div3A_46, %add3A_50 : vector<1x128xf32>
    %rsqrt3A = math.rsqrt %add3A_51 : vector<1x128xf32>
    %mul3A_52 = vector.broadcast %rsqrt3A : vector<1x128xf32> to vector<10000x128xf32>
    %mul3A_53 = arith.mulf %sub3A_48, %mul3A_52 : vector<10000x128xf32>
    %get3A_54 = arith.constant 0 : index
    %get3A_55 = arith.constant 0 : index
    %get3A_56 = vector.load %arg7[%get3A_54, %get3A_55] : memref<1x128xf32, #tpu.memory_space<vmem>>, vector<1x128xf32>
    %mul3A_57 = vector.broadcast %get3A_56 : vector<1x128xf32> to vector<10000x128xf32>
    %mul3A_58 = arith.mulf %mul3A_53, %mul3A_57 : vector<10000x128xf32>
    %get3A_59 = arith.constant 0 : index
    %get3A_60 = arith.constant 0 : index
    %get3A_61 = vector.load %arg8[%get3A_59, %get3A_60] : memref<1x128xf32, #tpu.memory_space<vmem>>, vector<1x128xf32>
    %add3A_62 = vector.broadcast %get3A_61 : vector<1x128xf32> to vector<10000x128xf32>
    %add3A_63 = arith.addf %mul3A_58, %add3A_62 : vector<10000x128xf32>
    %max3A_64 = arith.constant 0.000000e+00 : f32
    %max3A_65 = vector.broadcast %max3A_64 : f32 to vector<10000x128xf32>
    %max3A_66 = arith.maximumf %add3A_63, %max3A_65 : vector<10000x128xf32>
    %swap3A = arith.constant 0 : index
    %swap3A_67 = arith.constant 0 : index
    %swap3A_68 = vector.load %arg9[%swap3A, %swap3A_67] : memref<10000x128xf32, #tpu.memory_space<vmem>>, vector<10000x128xf32>
    tpu.vector_store %arg9[%swap3A, %swap3A_67], %max3A_66 {strides = array<i32>} : memref<10000x128xf32, #tpu.memory_space<vmem>>, vector<10000x128xf32>,
    %reduce_sum3A_69 = arith.constant dense<0.000000e+00> : vector<128xf32>
    %reduce_sum3A_70 = vector.multi_reduction <add>, %max3A_66, %reduce_sum3A_69 [0] : vector<10000x128xf32> to vector<128xf32>
    %broadcast_in_dim3A_71 = vector.shape_cast %reduce_sum3A_70 : vector<128xf32> to vector<1x128xf32>
    %swap3A_72 = arith.constant 0 : index
    %swap3A_73 = arith.constant 0 : index
    %swap3A_74 = vector.load %arg10[%swap3A_72, %swap3A_73] : memref<1x128xf32, #tpu.memory_space<vmem>>, vector<1x128xf32>
    tpu.vector_store %arg10[%swap3A_72, %swap3A_73], %broadcast_in_dim3A_71 {strides = array<i32>} : memref<1x128xf32, #tpu.memory_space<vmem>>, vector<1x128xf32>,
    return
  }
}

module attributes {stable_mosaic.version = 14 : i64} {
  func.func @body(%arg0: memref<20224x128xf32, #tpu.memory_space<vmem>>, %arg1: memref<10000x128xf32, #tpu.memory_space<vmem>>, %arg2: memref<1x1xf32, #tpu.memory_space<vmem>>, %arg3: memref<128x128xf32, #tpu.memory_space<vmem>>, %arg4: memref<1x128xf32, #tpu.memory_space<vmem>>, %arg5: memref<128x128xf32, #tpu.memory_space<vmem>>, %arg6: memref<1x128xf32, #tpu.memory_space<vmem>>, %arg7: memref<1x128xf32, #tpu.memory_space<vmem>>, %arg8: memref<1x128xf32, #tpu.memory_space<vmem>>, %arg9: memref<10000x128xf32, #tpu.memory_space<vmem>>, %arg10: memref<1x128xf32, #tpu.memory_space<vmem>>) attributes {dimension_semantics = [], scalar_prefetch = 0 : i64, scratch_operands = 0 : i64, tpu.core_type = #tpu.core_type<tc>} {
    %get3A = arith.constant 0 : index
    %get3A_0 = arith.constant 0 : index
    %get3A_1 = vector.load %arg0[%get3A, %get3A_0] : memref<20224x128xf32, #tpu.memory_space<vmem>>, vector<10000x128xf32>
    %get3A_2 = arith.constant 10112 : index
    %get3A_3 = arith.constant 0 : index
    %get3A_4 = vector.load %arg0[%get3A_2, %get3A_3] : memref<20224x128xf32, #tpu.memory_space<vmem>>, vector<10000x128xf32>
    %add3A = arith.addf %get3A_1, %get3A_4 : vector<10000x128xf32>
    %get3A_5 = arith.constant 0 : index
    %get3A_6 = arith.constant 0 : index
    %get3A_7 = vector.load %arg2[%get3A_5, %get3A_6] : memref<1x1xf32, #tpu.memory_space<vmem>>, vector<1x1xf32>
    %get3A_8 = arith.constant 0 : index
    %get3A_9 = arith.constant 0 : index
    %get3A_10 = vector.load %arg1[%get3A_8, %get3A_9] : memref<10000x128xf32, #tpu.memory_space<vmem>>, vector<10000x128xf32>
    %mul3A = vector.broadcast %get3A_7 : vector<1x1xf32> to vector<10000x128xf32>
    %mul3A_11 = arith.mulf %mul3A, %get3A_10 : vector<10000x128xf32>
    %add3A_12 = arith.addf %add3A, %mul3A_11 : vector<10000x128xf32>
    %get3A_13 = arith.constant 0 : index
    %get3A_14 = arith.constant 0 : index
    %get3A_15 = vector.load %arg3[%get3A_13, %get3A_14] : memref<128x128xf32, #tpu.memory_space<vmem>>, vector<128x128xf32>
    %dot_general3A = arith.constant dense<0.000000e+00> : vector<10000x128xf32>
    %dot_general3A_16 = tpu.matmul %add3A_12, %get3A_15, %dot_general3A {dimension_numbers = #tpu.dot_dimension_numbers<[1], [0], [0], [1], [0, 0, 1, 1], [], []>, transpose_lhs_hint = false} : vector<10000x128xf32>, vector<128x128xf32>, vector<10000x128xf32> -> vector<10000x128xf32>
    %get3A_17 = arith.constant 0 : index
    %get3A_18 = arith.constant 0 : index
    %get3A_19 = vector.load %arg4[%get3A_17, %get3A_18] : memref<1x128xf32, #tpu.memory_space<vmem>>, vector<1x128xf32>
    %add3A_20 = vector.broadcast %get3A_19 : vector<1x128xf32> to vector<10000x128xf32>
    %add3A_21 = arith.addf %dot_general3A_16, %add3A_20 : vector<10000x128xf32>
    %max3A = arith.constant 0.000000e+00 : f32
    %max3A_22 = vector.broadcast %max3A : f32 to vector<10000x128xf32>
    %max3A_23 = arith.maximumf %add3A_21, %max3A_22 : vector<10000x128xf32>
    %get3A_24 = arith.constant 0 : index
    %get3A_25 = arith.constant 0 : index
    %get3A_26 = vector.load %arg5[%get3A_24, %get3A_25] : memref<128x128xf32, #tpu.memory_space<vmem>>, vector<128x128xf32>
    %dot_general3A_27 = arith.constant dense<0.000000e+00> : vector<10000x128xf32>
    %dot_general3A_28 = tpu.matmul %max3A_23, %get3A_26, %dot_general3A_27 {dimension_numbers = #tpu.dot_dimension_numbers<[1], [0], [0], [1], [0, 0, 1, 1], [], []>, transpose_lhs_hint = false} : vector<10000x128xf32>, vector<128x128xf32>, vector<10000x128xf32> -> vector<10000x128xf32>
    %get3A_29 = arith.constant 0 : index
    %get3A_30 = arith.constant 0 : index
    %get3A_31 = vector.load %arg6[%get3A_29, %get3A_30] : memref<1x128xf32, #tpu.memory_space<vmem>>, vector<1x128xf32>
    %add3A_32 = vector.broadcast %get3A_31 : vector<1x128xf32> to vector<10000x128xf32>
    %add3A_33 = arith.addf %dot_general3A_28, %add3A_32 : vector<10000x128xf32>
    %reduce_sum3A = arith.constant dense<0.000000e+00> : vector<128xf32>
    %reduce_sum3A_34 = vector.multi_reduction <add>, %add3A_33, %reduce_sum3A [0] : vector<10000x128xf32> to vector<128xf32>
    %broadcast_in_dim3A = vector.shape_cast %reduce_sum3A_34 : vector<128xf32> to vector<1x128xf32>
    %div3A = arith.constant 1.000000e+04 : f32
    %div3A_35 = vector.broadcast %div3A : f32 to vector<1x128xf32>
    %div3A_36 = arith.divf %broadcast_in_dim3A, %div3A_35 : vector<1x128xf32>
    %sub3A = vector.broadcast %div3A_36 : vector<1x128xf32> to vector<10000x128xf32>
    %sub3A_37 = arith.subf %add3A_33, %sub3A : vector<10000x128xf32>
    %sub3A_38 = vector.broadcast %div3A_36 : vector<1x128xf32> to vector<10000x128xf32>
    %sub3A_39 = arith.subf %add3A_33, %sub3A_38 : vector<10000x128xf32>
    %mul3A_40 = arith.mulf %sub3A_37, %sub3A_39 : vector<10000x128xf32>
    %reduce_sum3A_41 = arith.constant dense<0.000000e+00> : vector<128xf32>
    %reduce_sum3A_42 = vector.multi_reduction <add>, %mul3A_40, %reduce_sum3A_41 [0] : vector<10000x128xf32> to vector<128xf32>
    %broadcast_in_dim3A_43 = vector.shape_cast %reduce_sum3A_42 : vector<128xf32> to vector<1x128xf32>
    %div3A_44 = arith.constant 1.000000e+04 : f32
    %div3A_45 = vector.broadcast %div3A_44 : f32 to vector<1x128xf32>
    %div3A_46 = arith.divf %broadcast_in_dim3A_43, %div3A_45 : vector<1x128xf32>
    %sub3A_47 = vector.broadcast %div3A_36 : vector<1x128xf32> to vector<10000x128xf32>
    %sub3A_48 = arith.subf %add3A_33, %sub3A_47 : vector<10000x128xf32>
    %add3A_49 = arith.constant 9.99999974E-6 : f32
    %add3A_50 = vector.broadcast %add3A_49 : f32 to vector<1x128xf32>
    %add3A_51 = arith.addf %div3A_46, %add3A_50 : vector<1x128xf32>
    %rsqrt3A = math.rsqrt %add3A_51 : vector<1x128xf32>
    %mul3A_52 = vector.broadcast %rsqrt3A : vector<1x128xf32> to vector<10000x128xf32>
    %mul3A_53 = arith.mulf %sub3A_48, %mul3A_52 : vector<10000x128xf32>
    %get3A_54 = arith.constant 0 : index
    %get3A_55 = arith.constant 0 : index
    %get3A_56 = vector.load %arg7[%get3A_54, %get3A_55] : memref<1x128xf32, #tpu.memory_space<vmem>>, vector<1x128xf32>
    %mul3A_57 = vector.broadcast %get3A_56 : vector<1x128xf32> to vector<10000x128xf32>
    %mul3A_58 = arith.mulf %mul3A_53, %mul3A_57 : vector<10000x128xf32>
    %get3A_59 = arith.constant 0 : index
    %get3A_60 = arith.constant 0 : index
    %get3A_61 = vector.load %arg8[%get3A_59, %get3A_60] : memref<1x128xf32, #tpu.memory_space<vmem>>, vector<1x128xf32>
    %add3A_62 = vector.broadcast %get3A_61 : vector<1x128xf32> to vector<10000x128xf32>
    %add3A_63 = arith.addf %mul3A_58, %add3A_62 : vector<10000x128xf32>
    %max3A_64 = arith.constant 0.000000e+00 : f32
    %max3A_65 = vector.broadcast %max3A_64 : f32 to vector<10000x128xf32>
    %max3A_66 = arith.maximumf %add3A_63, %max3A_65 : vector<10000x128xf32>
    %swap3A = arith.constant 0 : index
    %swap3A_67 = arith.constant 0 : index
    %swap3A_68 = vector.load %arg9[%swap3A, %swap3A_67] : memref<10000x128xf32, #tpu.memory_space<vmem>>, vector<10000x128xf32>
    tpu.vector_store %arg9[%swap3A, %swap3A_67], %max3A_66 {strides = array<i32>} : memref<10000x128xf32, #tpu.memory_space<vmem>>, vector<10000x128xf32>,
    %reduce_sum3A_69 = arith.constant dense<0.000000e+00> : vector<128xf32>
    %reduce_sum3A_70 = vector.multi_reduction <add>, %max3A_66, %reduce_sum3A_69 [0] : vector<10000x128xf32> to vector<128xf32>
    %broadcast_in_dim3A_71 = vector.shape_cast %reduce_sum3A_70 : vector<128xf32> to vector<1x128xf32>
    %swap3A_72 = arith.constant 0 : index
    %swap3A_73 = arith.constant 0 : index
    %swap3A_74 = vector.load %arg10[%swap3A_72, %swap3A_73] : memref<1x128xf32, #tpu.memory_space<vmem>>, vector<1x128xf32>
    tpu.vector_store %arg10[%swap3A_72, %swap3A_73], %broadcast_in_dim3A_71 {strides = array<i32>} : memref<1x128xf32, #tpu.memory_space<vmem>>, vector<1x128xf32>,
    return
  }
}

module attributes {stable_mosaic.version = 14 : i64} {
  func.func @body(%arg0: memref<10000x128xf32, #tpu.memory_space<vmem>>, %arg1: memref<4x128xf32, #tpu.memory_space<vmem>>, %arg2: memref<5x128x128xf32, #tpu.memory_space<vmem>>, %arg3: memref<5x128xf32, #tpu.memory_space<vmem>>, %arg4: memref<1x128xf32, #tpu.memory_space<vmem>>) attributes {dimension_semantics = [], scalar_prefetch = 0 : i64, scratch_operands = 0 : i64, tpu.core_type = #tpu.core_type<tc>} {
    %get3A = arith.constant 0 : index
    %get3A_0 = arith.constant 0 : index
    %get3A_1 = vector.load %arg0[%get3A, %get3A_0] : memref<10000x128xf32, #tpu.memory_space<vmem>>, vector<10000x128xf32>
    %reduce_sum3A = arith.constant dense<0.000000e+00> : vector<128xf32>
    %reduce_sum3A_2 = vector.multi_reduction <add>, %get3A_1, %reduce_sum3A [0] : vector<10000x128xf32> to vector<128xf32>
    %broadcast_in_dim3A = vector.shape_cast %reduce_sum3A_2 : vector<128xf32> to vector<1x128xf32>
    %get3A_3 = arith.constant 0 : index
    %get3A_4 = arith.constant 0 : index
    %get3A_5 = arith.constant 0 : index
    %get3A_6 = vector.load %arg2[%get3A_3, %get3A_4, %get3A_5] : memref<5x128x128xf32, #tpu.memory_space<vmem>>, vector<1x128x128xf32>
    %get3A_7 = vector.shape_cast %get3A_6 : vector<1x128x128xf32> to vector<128x128xf32>
    %dot_general3A = arith.constant dense<0.000000e+00> : vector<1x128xf32>
    %dot_general3A_8 = tpu.matmul %broadcast_in_dim3A, %get3A_7, %dot_general3A {dimension_numbers = #tpu.dot_dimension_numbers<[1], [0], [0], [1], [0, 0, 1, 1], [], []>, transpose_lhs_hint = false} : vector<1x128xf32>, vector<128x128xf32>, vector<1x128xf32> -> vector<1x128xf32>
    %get3A_9 = arith.constant 0 : index
    %get3A_10 = arith.constant 0 : index
    %get3A_11 = vector.load %arg1[%get3A_9, %get3A_10] : memref<4x128xf32, #tpu.memory_space<vmem>>, vector<1x128xf32>
    %get3A_12 = arith.constant 1 : index
    %get3A_13 = arith.constant 0 : index
    %get3A_14 = arith.constant 0 : index
    %get3A_15 = vector.load %arg2[%get3A_12, %get3A_13, %get3A_14] : memref<5x128x128xf32, #tpu.memory_space<vmem>>, vector<1x128x128xf32>
    %get3A_16 = vector.shape_cast %get3A_15 : vector<1x128x128xf32> to vector<128x128xf32>
    %dot_general3A_17 = arith.constant dense<0.000000e+00> : vector<1x128xf32>
    %dot_general3A_18 = tpu.matmul %get3A_11, %get3A_16, %dot_general3A_17 {dimension_numbers = #tpu.dot_dimension_numbers<[1], [0], [0], [1], [0, 0, 1, 1], [], []>, transpose_lhs_hint = false} : vector<1x128xf32>, vector<128x128xf32>, vector<1x128xf32> -> vector<1x128xf32>
    %add3A = arith.addf %dot_general3A_8, %dot_general3A_18 : vector<1x128xf32>
    %get3A_19 = arith.constant 1 : index
    %get3A_20 = arith.constant 0 : index
    %get3A_21 = vector.load %arg1[%get3A_19, %get3A_20] : memref<4x128xf32, #tpu.memory_space<vmem>>, vector<1x128xf32>
    %get3A_22 = arith.constant 2 : index
    %get3A_23 = arith.constant 0 : index
    %get3A_24 = arith.constant 0 : index
    %get3A_25 = vector.load %arg2[%get3A_22, %get3A_23, %get3A_24] : memref<5x128x128xf32, #tpu.memory_space<vmem>>, vector<1x128x128xf32>
    %get3A_26 = vector.shape_cast %get3A_25 : vector<1x128x128xf32> to vector<128x128xf32>
    %dot_general3A_27 = arith.constant dense<0.000000e+00> : vector<1x128xf32>
    %dot_general3A_28 = tpu.matmul %get3A_21, %get3A_26, %dot_general3A_27 {dimension_numbers = #tpu.dot_dimension_numbers<[1], [0], [0], [1], [0, 0, 1, 1], [], []>, transpose_lhs_hint = false} : vector<1x128xf32>, vector<128x128xf32>, vector<1x128xf32> -> vector<1x128xf32>
    %add3A_29 = arith.addf %add3A, %dot_general3A_28 : vector<1x128xf32>
    %get3A_30 = arith.constant 2 : index
    %get3A_31 = arith.constant 0 : index
    %get3A_32 = vector.load %arg1[%get3A_30, %get3A_31] : memref<4x128xf32, #tpu.memory_space<vmem>>, vector<1x128xf32>
    %get3A_33 = arith.constant 3 : index
    %get3A_34 = arith.constant 0 : index
    %get3A_35 = arith.constant 0 : index
    %get3A_36 = vector.load %arg2[%get3A_33, %get3A_34, %get3A_35] : memref<5x128x128xf32, #tpu.memory_space<vmem>>, vector<1x128x128xf32>
    %get3A_37 = vector.shape_cast %get3A_36 : vector<1x128x128xf32> to vector<128x128xf32>
    %dot_general3A_38 = arith.constant dense<0.000000e+00> : vector<1x128xf32>
    %dot_general3A_39 = tpu.matmul %get3A_32, %get3A_37, %dot_general3A_38 {dimension_numbers = #tpu.dot_dimension_numbers<[1], [0], [0], [1], [0, 0, 1, 1], [], []>, transpose_lhs_hint = false} : vector<1x128xf32>, vector<128x128xf32>, vector<1x128xf32> -> vector<1x128xf32>
    %add3A_40 = arith.addf %add3A_29, %dot_general3A_39 : vector<1x128xf32>
    %get3A_41 = arith.constant 3 : index
    %get3A_42 = arith.constant 0 : index
    %get3A_43 = vector.load %arg1[%get3A_41, %get3A_42] : memref<4x128xf32, #tpu.memory_space<vmem>>, vector<1x128xf32>
    %get3A_44 = arith.constant 4 : index
    %get3A_45 = arith.constant 0 : index
    %get3A_46 = arith.constant 0 : index
    %get3A_47 = vector.load %arg2[%get3A_44, %get3A_45, %get3A_46] : memref<5x128x128xf32, #tpu.memory_space<vmem>>, vector<1x128x128xf32>
    %get3A_48 = vector.shape_cast %get3A_47 : vector<1x128x128xf32> to vector<128x128xf32>
    %dot_general3A_49 = arith.constant dense<0.000000e+00> : vector<1x128xf32>
    %dot_general3A_50 = tpu.matmul %get3A_43, %get3A_48, %dot_general3A_49 {dimension_numbers = #tpu.dot_dimension_numbers<[1], [0], [0], [1], [0, 0, 1, 1], [], []>, transpose_lhs_hint = false} : vector<1x128xf32>, vector<128x128xf32>, vector<1x128xf32> -> vector<1x128xf32>
    %add3A_51 = arith.addf %add3A_40, %dot_general3A_50 : vector<1x128xf32>
    %get3A_52 = arith.constant 0 : index
    %get3A_53 = arith.constant 0 : index
    %get3A_54 = vector.load %arg3[%get3A_52, %get3A_53] : memref<5x128xf32, #tpu.memory_space<vmem>>, vector<5x128xf32>
    %reduce_sum3A_55 = arith.constant dense<0.000000e+00> : vector<128xf32>
    %reduce_sum3A_56 = vector.multi_reduction <add>, %get3A_54, %reduce_sum3A_55 [0] : vector<5x128xf32> to vector<128xf32>
    %broadcast_in_dim3A_57 = vector.shape_cast %reduce_sum3A_56 : vector<128xf32> to vector<1x128xf32>
    %add3A_58 = arith.addf %add3A_51, %broadcast_in_dim3A_57 : vector<1x128xf32>
    %swap3A = arith.constant 0 : index
    %swap3A_59 = arith.constant 0 : index
    %swap3A_60 = vector.load %arg4[%swap3A, %swap3A_59] : memref<1x128xf32, #tpu.memory_space<vmem>>, vector<1x128xf32>
    tpu.vector_store %arg4[%swap3A, %swap3A_59], %add3A_58 {strides = array<i32>} : memref<1x128xf32, #tpu.memory_space<vmem>>, vector<1x128xf32>,
    return
  }
}

</mosaic_0001>

<sc_bundles>
// kernel: kernel.11.cloned.1.call-start
scs
__scs_entry_jumppad:
0x0: {  	(pc) =	sbr.rel $0x88, $3  }
0x1: {  	(tag) =	ssettag $0x0;
	lr =	simm.s32 $0x1  }
0x2: {  	[smem:$0x3F96] =	sst lr;
	_ =	strace $0xD0000000  }
0x3: {  	_ = 	snop  }
0x4: {  	_ = 	snop  }
0x5: {  	_ = 	snop  }
0x6: {  	_ = 	snop  }
0x7: {  	_ = 	snop  }
__scs_overlays_trampoline_lowered:
0x8: {  	[smem:$0x3FA5] =	sst s0  }
0x9: {  	[smem:$0x3FA6] =	sst s1  }
0xa: {  	[smem:$0x3FA7] =	sst s2  }
0xb: {  	[smem:$0x3FA8] =	sst s3  }
0xc: {  	[smem:$0x3FA9] =	sst s4  }
0xd: {  	[smem:$0x3FAA] =	sst s5  }
0xe: {  	[smem:$0x3FAB] =	sst s6  }
0xf: {  	[smem:$0x3FAC] =	sst s7  }
0x10: {  	[smem:$0x3FAD] =	sst s8  }
0x11: {  	[smem:$0x3FAE] =	sst s9;
	s0 =	simm.s32 @!p0 $0x0  }
0x12: {  	s1 =	sld [smem:$0x3F94];
	s0 =	simm.s32 @p0 $0x1  }
0x13: {  	[smem:$0x3FAF] =	sst s0;
	s0 =	simm.s32 @!p1 $0x0  }
0x14: {  	s2 =	sld [smem:$0x3F93];
	s0 =	simm.s32 @p1 $0x1  }
0x15: {  	[smem:$0x3FB0] =	sst s0;
	s0 =	simm.s32 @!p2 $0x0  }
0x16: {  	s3 =	sld [smem:$0x3FDB];
	s0 =	simm.s32 @p2 $0x1  }
0x17: {  	s4 =	simm.s32 $0x1BF5;
	[smem:$0x3FB2] =	sst s0  }
0x18: {  	s0 =	sld [smem:$0x3F95];
	_ =	swait.ge [sflag:s4], $0x0  }
0x19: {  	s7 =	sld [smem:$0x3F96]  }
0x1a: {  	s8 =	sadd.s32 $0xFFFFE003, lr  }
0x1b: {  	s9 =	sadd.s32 $0xFFFFFEF7, lr;
	s5 =	simm.s32 $0xFFFFFFFF;
	p2 =	slt.u32 s8, $0xFFFFF086  }
0x1c: {  	p1 =	slt.u32 s9, $0xF7A;
	s5 =	simm.s32 @!p2 $0x0  }
0x1d: {  	s5 =	simm.s32 @p1 $0x1;
	p0 =	seq.s32 s7, s2  }
0x1e: {  	s7 =	smul.u32 @!p0 $0xF7A, s2;
	p2 =	seq.s32 @!p0 s5, $0x0  }
0x1f: {  	s9 =	smul.u32 $0xF7A, s1;
	s8 =	simm.s32 @!p0 $0x1BF5;
	p2 =	por !p2, p0  }
0x20: {  	[sflag:s8] =	ssyncset.s32 @!p0 $0xFFFFF086;
	s6 =	sadd.s32 @!p0 s3, s7;
	s7 =	simm.s32 @!p0 $0x108  }
0x21: {  	s3 =	sadd.s32 s3, s9;
	s6 =	sadd.s32 @!p0 $0x88, s6;
	s7 =	simm.s32 @p2 $0x1082  }
0x22: {  	[simem:s7], [sflag:s8] =	dma.local @!p0 [hbm:s6], $0xF7A  }
0x23: {  	s9 =	sor.u32 $0xD0000000, s2;
	s6 =	simm.s32 $0x108;
	_ =	swait.ge @!p0 [sflag:s8], $0x0  }
0x24: {  	s3 =	sadd.s32 $0x88, s3;
	s6 =	simm.s32 @!p1 $0x1082;
	[sflag:s4] =	ssyncset.s32 $0xFFFFF086  }
0x25: {  	[simem:s6], [sflag:s4] =	dma.local [hbm:s3], $0xF7A  }
0x26: {  	[smem:$0x3F96] =	sst s1;
	(tag) =	ssettag s2;
	_ =	strace s9  }
0x27: {  	s1 =	sld [smem:$0x3FA6]  }
0x28: {  	s2 =	sld [smem:$0x3FA7]  }
0x29: {  	s4 =	sld [smem:$0x3FA9]  }
0x2a: {  	p0 =	seq.s32 s5, $0x0;
	s5 =	sld [smem:$0x3FAA]  }
0x2b: {  	s6 =	sld [smem:$0x3FAB]  }
0x2c: {  	s7 =	sld [smem:$0x3FAC]  }
0x2d: {  	s3 =	simm.s32 $0x108;
	s8 =	sld [smem:$0x3FAD]  }
0x2e: {  	s3 =	simm.s32 @!p0 $0x1082;
	s9 =	sld [smem:$0x3FAE]  }
0x2f: {  	lr =	sadd.s32 s0, s3;
	s0 =	sld [smem:$0x3FA5]  }
0x30: {  	s3 =	sld [smem:$0x3FA8]  }
0x31: {  	[smem:$0x3FB1] =	sst s10  }
0x32: {  	s10 =	sld [smem:$0x3FAF];
	_ =	sdelay $0x3  }
0x33: {  	p0 =	seq.s32 s10, $0x1;
	s10 =	sld [smem:$0x3FB1];
	_ =	sdelay $0x3  }
0x34: {  	[smem:$0x3FB1] =	sst s10  }
0x35: {  	s10 =	sld [smem:$0x3FB0];
	_ =	sdelay $0x3  }
0x36: {  	p1 =	seq.s32 s10, $0x1;
	s10 =	sld [smem:$0x3FB1];
	_ =	sdelay $0x3  }
0x37: {  	[smem:$0x3FB1] =	sst s10  }
0x38: {  	s10 =	sld [smem:$0x3FB2]  }
0x39: {  	_ = 	snop;
	(pc) =	sbr.ind lr, $3  }
0x3a: {  	_ = 	snop  }
0x3b: {  	_ = 	snop  }
0x3c: {  	p2 =	seq.s32 s10, $0x1;
	s10 =	sld [smem:$0x3FB1]  }
0x3d: {  	_ =	shalt  }
0x3e: {  	_ =	shalt  }
0x3f: {  	_ =	shalt  }
0x40: {  	_ =	shalt  }
0x41: {  	_ =	shalt  }
0x42: {  	_ =	shalt  }
0x43: {  	_ =	shalt  }
0x44: {  	_ =	shalt  }
0x45: {  	_ =	shalt  }
0x46: {  	_ =	shalt  }
0x47: {  	_ =	shalt  }
0x48: {  	_ =	shalt  }
0x49: {  	_ =	shalt  }
0x4a: {  	_ =	shalt  }
0x4b: {  	_ =	shalt  }
0x4c: {  	_ =	shalt  }
0x4d: {  	_ =	shalt  }
0x4e: {  	_ =	shalt  }
0x4f: {  	_ =	shalt  }
0x50: {  	_ =	shalt  }
0x51: {  	_ =	shalt  }
0x52: {  	_ =	shalt  }
0x53: {  	_ =	shalt  }
0x54: {  	_ =	shalt  }
0x55: {  	_ =	shalt  }
0x56: {  	_ =	shalt  }
0x57: {  	_ =	shalt  }
0x58: {  	_ =	shalt  }
0x59: {  	_ =	shalt  }
0x5a: {  	_ =	shalt  }
0x5b: {  	_ =	shalt  }
0x5c: {  	_ =	shalt  }
0x5d: {  	_ =	shalt  }
0x5e: {  	_ =	shalt  }
0x5f: {  	_ =	shalt  }
0x60: {  	_ =	shalt  }
0x61: {  	_ =	shalt  }
0x62: {  	_ =	shalt  }
0x63: {  	_ =	shalt  }
0x64: {  	_ =	shalt  }
0x65: {  	_ =	shalt  }
0x66: {  	_ =	shalt  }
0x67: {  	_ =	shalt  }
0x68: {  	_ =	shalt  }
0x69: {  	_ =	shalt  }
0x6a: {  	_ =	shalt  }
0x6b: {  	_ =	shalt  }
0x6c: {  	_ =	shalt  }
0x6d: {  	_ =	shalt  }
0x6e: {  	_ =	shalt  }
0x6f: {  	_ =	shalt  }
0x70: {  	_ =	shalt  }
0x71: {  	_ =	shalt  }
0x72: {  	_ =	shalt  }
0x73: {  	_ =	shalt  }
0x74: {  	_ =	shalt  }
0x75: {  	_ =	shalt  }
0x76: {  	_ =	shalt  }
0x77: {  	_ =	shalt  }
0x78: {  	_ =	shalt  }
0x79: {  	_ =	shalt  }
0x7a: {  	_ =	shalt  }
0x7b: {  	_ =	shalt  }
0x7c: {  	_ =	shalt  }
0x7d: {  	_ =	shalt  }
0x7e: {  	_ =	shalt  }
0x7f: {  	_ =	shalt  }
0x80: {  	_ =	shalt  }
0x81: {  	_ =	shalt  }
0x82: {  	_ =	shalt  }
0x83: {  	_ =	shalt  }
0x84: {  	_ =	shalt  }
0x85: {  	_ =	shalt  }
0x86: {  	_ =	shalt  }
0x87: {  	_ =	shalt  }
.Lfunc_end0:
.L_simem_size_0:
called_computation_lowered:
.L_overlay_start_0:
0x88: {  	s2 =	sld [smem:$0x3FD9]  }
0x89: {  	s3 =	sld [smem:$0x3FFE];
	_ =	sdelay $0x1  }
0x8a: {  	s1 =	srdreg.scid  }
0x8b: {  	s0 =	sand.u32 $0x1, s1  }
0x8c: {  	s17 =	sshll.u32 s0, $0xA;
	s2 =	sadd.s32 s3, s2  }
0x8d: {  	s2 =	sadd.s32 s2, s17  }
0x8e: {  	[smem:$0x3FBD] =	sst s2  }
0x8f: {  	_ = 	snop  }
0x90: {  	s2 =	sld [smem:$0x3FC9];
	(tm) =	ssettm $0x1  }
0x91: {  	s18 =	sld [smem:$0x3FFB];
	_ =	sdelay $0x3  }
0x92: {  	_ =	strace s18  }
0x93: {  	s3 =	sld [smem:$0x3FFC];
	_ =	sdelay $0x3  }
0x94: {  	_ =	strace s3  }
0x95: {  	s3 =	sld [smem:$0x3FFD];
	_ =	sdelay $0x3  }
0x96: {  	_ =	strace s3  }
0x97: {  	_ =	strace $0x8FFFFFFF  }
0x98: {  	s19 =	sld [smem:$0x3FDB];
	_ =	sdelay $0x1  }
0x99: {  	s4 =	simm.s32 $_scs_section_size  }
0x9a: {  	s5 =	simm.s32 $_size__tile_overlayer_lowered;
	s6 =	simm.s32 $_tile_overlayer_lowered  }
0x9b: {  	s22 =	simm.s32 $0x1BFF;
	s21 =	sshll.u32 s6, $0x1;
	s3 =	sadd.s32 s4, s19  }
0x9c: {  	s7 =	simm.s32 $0x0;
	s20 =	sshll.u32 s5, $0x1;
	s5 =	sadd.s32 s21, s3  }
0x9d: {  	[timem:s7], [sflag:s22] =	dma.local [hbm:s5], s20  }
0x9e: {  	_ =	swait.ge [sflag:s22], s20  }
0x9f: {  	s4 =	ssub.s32 $0x0, s20;
	[sflag:s22] =	ssyncset.done $0x0  }
0xa0: {  	[sflag:s22] =	ssyncadd.s32 s4;
	_ =	sdelay $0x1  }
0xa1: {  	s23 =	simm.s32 $0x1B8B  }
0xa2: {  	_ =	swait.ge [sflag:s23], $0x1  }
0xa3: {  	[sflag:s23] =	ssyncset.done $0x0  }
0xa4: {  	s25 =	simm.s32 $0x1B8E;
	s24 =	sld [smem:$0x3FFE];
	[sflag:s23] =	ssyncadd.s32 $0xFFFFFFFF  }
0xa5: {  	s26 =	simm.s32 $execute0_lowered;
	[smem:$0x3FD2] =	sst s25  }
0xa6: {  	s5 =	sshll.u32 s26, $0x1;
	_ =	strace $0x80000046;
	[dreg:$0x1] =	wrdreg $0xFFFFFFFF  }
0xa7: {  	s28 =	simm.s32 $_size_execute0_lowered;
	s3 =	sadd.s32 s3, s5;
	[dreg:$0x0] =	wrdreg $0x0  }
0xa8: {  	s5 =	sshll.u32 s28, $0x1;
	[dreg:$0x2] =	wrdreg s3  }
0xa9: {  	[dreg:$0x3] =	wrdreg s5  }
0xaa: {  	[dreg:$0x4] =	wrdreg $0xC0  }
0xab: {  	_ =	task [dreg:s7], $0x5FFFF  }
0xac: {  	[dreg:$0x1] =	wrdreg $0xFFFFFFFF  }
0xad: {  	[dreg:$0x0] =	wrdreg $0x60  }
0xae: {  	[dreg:$0x2] =	wrdreg s2  }
0xaf: {  	[dreg:$0x3] =	wrdreg s24  }
0xb0: {  	[dreg:$0x4] =	wrdreg $0x69000  }
0xb1: {  	[dreg:$0x5] =	wrdreg $0x9  }
0xb2: {  	_ =	task.clear_ibuf [dreg:s7], $0x6FFFF;
	_ =	strace $0x90000046  }
0xb3: {  	s29 =	simm.s32 $0x9;
	_ =	strace $0x80000048  }
0xb4: {  	_ =	swait.ge [sflag:s29], $0x1  }
0xb5: {  	[sflag:s29] =	ssyncadd.s32 $0xFFFFFFFF  }
0xb6: {  	_ =	strace $0x90000048  }
0xb7: {  	_ =	sfence  }
0xb8: {  	s30 =	sld [smem:$0x0];
	_ =	sdelay $0x2  }
0xb9: {  	s31 =	sshll.u32 s1, $0xD;
	s1 =	sshrl.u32 s1, $0x2  }
0xba: {  	s3 =	sand.u32 $0x4000, s31;
	s1 =	sadd.s32 s1, s30  }
0xbb: {  	s0 =	sor.u32 s3, s0;
	s1 =	sshll.u32 s1, $0x11  }
0xbc: {  	s0 =	sor.u32 s1, s0  }
0xbd: {  	s0 =	sadd.s32 $0x8F2B, s0  }
0xbe: {  	[sflag:s0] =	ssyncadd.remote.s32 $0x1  }
0xbf: {  	_ =	sfence.sel $0xFFFF  }
0xc0: {  	[dreg:$0x0] =	wrdreg $0xFFFFFFFF;
	(pc) =	sbr.abs _section_cstart, $3  }
0xc1: {  	[dreg:$0x1] =	wrdreg $0xFFFFFFFF  }
0xc2: {  	_ =	task.clear_ibuf [dreg:s7], $0x2FFFF;
	_ =	strace $0x9FFFFFFF  }
0xc3: {  	(tm) =	ssettm $0x7FFFFFFF  }
tec
execute0_lowered:
.L_overlay_start_1:
0x0: {  	(tag) =	ssettag $0x1  }
0x1: {  	s0 =	rddreg [dreg:$0x0]  }
0x2: {  	s5 =	rddreg [dreg:$0x1];
	s1 =	srdreg.scid  }
0x3: {  	s3 =	rddreg [dreg:$0x2];
	s2 =	stileid.u32;
	s4 =	simm.s32 $0x0  }
0x4: {  	s13 =	simm.s32 $0x2900;
	s14 =	simm.s32 $0x2;
	s15 =	simm.s32 $0x80  }
0x5: {  	s16 =	simm.s32 $0x50;
	s17 =	simm.s32 $0x100;
	s8 =	smul.u32 $0x2710, s2  }
0x6: {  	s18 =	simm.s32 $0x1;
	s21 =	simm.s32 $0x0;
	s28 =	smul.u32 $0x2780, s2  }
0x7: {  	s6 =	sand.u32 $0x1, s1;
	s1 =	rddreg [dreg:$0x3];
	s10 =	smul.u32 $0x4F000, s2  }
0x8: {  	[smem:$0x7FF] =	sst s4;
	s19 =	sshll.u32 s2, $0x6;
	s7 =	smul.u32 $0x27100, s6  }
0x9: {  	s9 =	smul.u32 $0x27800, s6;
	_ =	strace $0x80000047;
	s6 =	ssub.s32 $0x2, s6  }
0xa: {  	s19 =	sor.u32 $0x1C02, s19;
	s30 =	sshrl.u32 s6, $0x1;
	s7 =	sadd.s32 s8, s7  }
0xb: {  	s31 =	sshrl.u32 s10, $0x2;
	s29 =	sadd.s32 s28, s9;
	s7 =	sshrl.u32 s7, $0x3  }
0xc: {  	s8 =	ssub.s32 s6, s30;
	s12 =	sadd.s32 s7, s5;
	s7 =	sadd.s32 s29, s5  }
0xd: {  	s5 =	sadd.s32 s31, s3;
	s6 =	sadd.s32 $0x18200, s7;
	s7 =	smax.u32 s8, $0x1  }
0xe: {  	s8 =	sadd.s32 $0x4000, s5;
	s9 =	sadd.s32 $0x8000, s5;
	s10 =	sadd.s32 $0xC000, s5  }
0xf: {  	v0 =	vimm.f32 $0.0e+00;
	s11 =	sadd.s32 $0x4600, s12;
	s12 =	sadd.s32 $0xE400, s12;
	s20 =	sshrl.u32 s5, $0x3  }
.LBB2_1:
0x10: {  	s22 =	sand.u32 $0xFE00, s4  }
0x11: {  	s23 =	sand.u32 $0x70, s4;
	s24 =	sshrl.u32 s22, $0x2  }
0x12: {  	s22 =	simm.s32 $0x40;
	s24 =	sor.u32 s23, s24;
	s23 =	simm.s32 $0x0  }
.LBB2_2:
0x13: {  	p0 =	sne.s32 s22, $0xFFC0  }
0x14: {  	[tilespmem:s24+$0x2900] =	vst v0;
	s23 =	sadd.s32 $0x10, s23;
	s24 =	smov.u32 s22;
	s22 =	sadd.s32 $0x40, s22  }
.Ltmp0:
0x15: {  	(pc) =	sbr.rel @p0 .LBB2_2-.Ltmp0, $4  }
0x16: {  	_ = 	snop  }
0x17: {  	s24 =	sand.u32 $0xFE00, s24  }
0x18: {  	s25 =	sand.u32 $0x70, s23;
	s24 =	sshrl.u32 s24, $0x2  }
0x19: {  	s24 =	sor.u32 s25, s24  }
0x1a: {  	[tilespmem:s24+$0x2900] =	vst v0  }
0x1b: {  	[spmem:s5] =	stream.linear.scatter [tilespmem:s13], [sflag:$0x2], $0x4000, $0x38;
	[tilespmem:$0x1A500] =	vst v63  }
0x1c: {  	_ =	swait.ge [sflag:s14], $0x4000  }
0x1d: {  	[sflag:s14] =	ssyncset.done $0x0  }
0x1e: {  	[sflag:s14] =	ssyncadd.s32 $0xFFFFC000  }
0x1f: {  	[spmem:s8] =	stream.linear.scatter [tilespmem:s13], [sflag:$0x2], $0x4000, $0x38;
	[tilespmem:$0x1A500] =	vst v63  }
0x20: {  	_ =	swait.ge [sflag:s14], $0x4000  }
0x21: {  	[sflag:s14] =	ssyncset.done $0x0  }
0x22: {  	[sflag:s14] =	ssyncadd.s32 $0xFFFFC000  }
0x23: {  	[spmem:s9] =	stream.linear.scatter [tilespmem:s13], [sflag:$0x2], $0x4000, $0x38;
	[tilespmem:$0x1A500] =	vst v63  }
0x24: {  	_ =	swait.ge [sflag:s14], $0x4000  }
0x25: {  	[sflag:s14] =	ssyncset.done $0x0  }
0x26: {  	[sflag:s14] =	ssyncadd.s32 $0xFFFFC000  }
0x27: {  	[spmem:s10] =	stream.linear.scatter [tilespmem:s13], [sflag:$0x2], $0x4000, $0x38;
	[tilespmem:$0x1A500] =	vst v63  }
0x28: {  	_ =	swait.ge [sflag:s14], $0x4000  }
0x29: {  	[sflag:s14] =	ssyncset.done $0x0  }
0x2a: {  	[sflag:s14] =	ssyncadd.s32 $0xFFFFC000  }
0x2b: {  	s22 =	sadd.s32 $0x0, s12;
	[bflag:$0x0] =	sbarrier.arrive $0xFFFF  }
0x2c: {  	[tilespmem:s4], [sflag:$0x2] =	stream.linear.gather [hbm4b:s22+s4], $0x50, $0x38;
	[tilespmem:$0x1A500] =	vst v63  }
0x2d: {  	_ =	swait.ge [sflag:s14], $0x50  }
0x2e: {  	[sflag:s14] =	ssyncset.done $0x0  }
0x2f: {  	s31 =	sadd.s32 $0x0, s11;
	[sflag:s14] =	ssyncadd.s32 $0xFFFFFFB0  }
0x30: {  	[tilespmem:s15], [sflag:$0x2] =	stream.linear.gather [hbm4b:s31+s4], $0x50, $0x38;
	[tilespmem:$0x1A500] =	vst v63  }
0x31: {  	_ =	swait.ge [sflag:s14], $0x50  }
0x32: {  	[sflag:s14] =	ssyncset.done $0x0  }
0x33: {  	[sflag:s14] =	ssyncadd.s32 $0xFFFFFFB0  }
0x34: {  	[tilespmem:s17], [sflag:$0x1] =	stream.indirect.gather [hbm4b:s0+s16], $0x80, s4, s16, $0xb8;
	[tilespmem:$0x1A500] =	vst v63  }
0x35: {  	_ =	swait.ge [sflag:s18], $0x2800  }
0x36: {  	[sflag:s18] =	ssyncset.done $0x0  }
0x37: {  	[sflag:s18] =	ssyncadd.s32 $0xFFFFD800  }
0x38: {  	[spmem:s3] =	stream.indirect.scatter.add.f32 [tilespmem:s17], [sflag:$0x2], $0x80, s15, s16, $0xb8;
	[tilespmem:$0x1A500] =	vst v63  }
0x39: {  	_ =	swait.ge [sflag:s14], $0x2800  }
0x3a: {  	s23 =	simm.s32 $0x14;
	s22 =	simm.s32 $0xA;
	[sflag:s14] =	ssyncset.done $0x0  }
.LBB2_4:
0x3b: {  	s24 =	sadd.s32 s22, s12  }
0x3c: {  	[sflag:s14] =	ssyncadd.s32 $0xFFFFD800;
	s25 =	smov.u32 s23;
	s26 =	sadd.s32 $0xA, s23  }
0x3d: {  	[tilespmem:s4], [sflag:$0x2] =	stream.linear.gather [hbm4b:s24+s4], $0x50, $0x38;
	[tilespmem:$0x1A500] =	vst v63  }
0x3e: {  	p0 =	sne.s32 s23, $0x4D8;
	_ =	swait.ge [sflag:s14], $0x50  }
0x3f: {  	[sflag:s14] =	ssyncset.done $0x0  }
0x40: {  	s23 =	sadd.s32 s22, s11;
	s22 =	smov.u32 s25;
	[sflag:s14] =	ssyncadd.s32 $0xFFFFFFB0  }
0x41: {  	[tilespmem:s15], [sflag:$0x2] =	stream.linear.gather [hbm4b:s23+s4], $0x50, $0x38;
	[tilespmem:$0x1A500] =	vst v63  }
0x42: {  	_ =	swait.ge [sflag:s14], $0x50  }
0x43: {  	[sflag:s14] =	ssyncset.done $0x0  }
0x44: {  	[sflag:s14] =	ssyncadd.s32 $0xFFFFFFB0  }
0x45: {  	[tilespmem:s17], [sflag:$0x1] =	stream.indirect.gather [hbm4b:s0+s16], $0x80, s4, s16, $0xb8;
	[tilespmem:$0x1A500] =	vst v63  }
0x46: {  	_ =	swait.ge [sflag:s18], $0x2800  }
.Ltmp1:
0x47: {  	[sflag:s18] =	ssyncset.done $0x0;
	(pc) =	sbr.rel @p0 .LBB2_4-.Ltmp1, $4  }
0x48: {  	[sflag:s18] =	ssyncadd.s32 $0xFFFFD800  }
0x49: {  	[spmem:s3] =	stream.indirect.scatter.add.f32 [tilespmem:s17], [sflag:$0x2], $0x80, s15, s16, $0xb8;
	[tilespmem:$0x1A500] =	vst v63  }
0x4a: {  	_ =	swait.ge [sflag:s14], $0x2800  }
0x4b: {  	s23 =	smov.u32 s26;
	[sflag:s14] =	ssyncset.done $0x0  }
0x4c: {  	s23 =	sadd.s32 s22, s12;
	[sflag:s14] =	ssyncadd.s32 $0xFFFFD800  }
0x4d: {  	[tilespmem:s4], [sflag:$0x2] =	stream.linear.gather [hbm4b:s23+s4], $0x50, $0x38;
	[tilespmem:$0x1A500] =	vst v63  }
0x4e: {  	_ =	swait.ge [sflag:s14], $0x50  }
0x4f: {  	[sflag:s14] =	ssyncset.done $0x0  }
0x50: {  	s31 =	sadd.s32 s22, s11;
	[sflag:s14] =	ssyncadd.s32 $0xFFFFFFB0  }
0x51: {  	[tilespmem:s15], [sflag:$0x2] =	stream.linear.gather [hbm4b:s31+s4], $0x50, $0x38;
	[tilespmem:$0x1A500] =	vst v63  }
0x52: {  	_ =	swait.ge [sflag:s14], $0x50  }
0x53: {  	[sflag:s14] =	ssyncset.done $0x0  }
0x54: {  	[sflag:s14] =	ssyncadd.s32 $0xFFFFFFB0  }
0x55: {  	[tilespmem:s17], [sflag:$0x1] =	stream.indirect.gather [hbm4b:s0+s16], $0x80, s4, s16, $0xb8;
	[tilespmem:$0x1A500] =	vst v63  }
0x56: {  	_ =	swait.ge [sflag:s18], $0x2800  }
0x57: {  	[sflag:s18] =	ssyncset.done $0x0  }
0x58: {  	[sflag:s18] =	ssyncadd.s32 $0xFFFFD800  }
0x59: {  	[spmem:s3] =	stream.indirect.scatter.add.f32 [tilespmem:s17], [sflag:$0x2], $0x80, s15, s16, $0xb8;
	[tilespmem:$0x1A500] =	vst v63  }
0x5a: {  	_ =	swait.ge [sflag:s14], $0x2800  }
0x5b: {  	s21 =	sadd.s32 $0x1, s21;
	[sflag:s14] =	ssyncset.done $0x0  }
0x5c: {  	p0 =	sne.s32 s21, s7;
	[sflag:s14] =	ssyncadd.s32 $0xFFFFD800  }
.Ltmp2:
0x5d: {  	[bflag:$0x0] =	sbarrier.arrive $0xFFFF;
	(pc) =	sbr.rel @p0 .LBB2_1-.Ltmp2, $4  }
0x5e: {  	[hbm:s6], [sflag:s19] =	dma.local [spmem:s20], $0x2780  }
0x5f: {  	_ =	swait.ge [sflag:s14], $0x2780  }
0x60: {  	[sflag:s14] =	ssyncset.done $0x0  }
0x61: {  	[sflag:s14] =	ssyncadd.s32 $0xFFFFD880  }
0x62: {  	_ =	sfence.sel $0x180000  }
0x63: {  	[bflag:$0x0] =	sbarrier.arrive $0xFFFF  }
0x64: {  	p0 =	sne.s32 s2, $0x0;
	_ =	strace $0x90000047  }
0x65: {  	s0 =	sadd.s32 @!p0 $0x100000, s1;
	[bflag:$0x2] =	sbarrier.arrive $0xFFFF  }
0x66: {  	[sflag:s0] =	ssyncadd.tile.s32 @!p0 $0x1;
	_ =	shalt  }
.Lfunc_end2:
_tile_overlayer_lowered:
.L_overlay_start_2:
0x67: {  	(tag) =	ssettag $0x2  }
0x68: {  	s0 =	rddreg [dreg:$0x0];
	s2 =	stileid.u32  }
0x69: {  	s1 =	rddreg [dreg:$0x1];
	p0 =	sne.s32 s2, $0x0  }
0x6a: {  	s3 =	rddreg [dreg:$0x2];
	[bflag:$0x3] =	sbarrier.arrive $0xFFFF;
	s2 =	simm.s32 @!p0 $0x1C02  }
0x6b: {  	[timem:s3], [sflag:s2] =	dma.local @!p0 [hbm:s0], s1  }
0x6c: {  	s0 =	simm.s32 @!p0 $0x2  }
0x6d: {  	_ =	swait.ge @!p0 [sflag:s0], s1  }
0x6e: {  	s1 =	ssub.s32 @!p0 $0x0, s1;
	[sflag:s0] =	ssyncset.done @!p0 $0x0  }
0x6f: {  	[sflag:s0] =	ssyncadd.s32 @!p0 s1  }
0x70: {  	[bflag:$0x3] =	sbarrier.arrive $0xFFFF  }
0x71: {  	_ =	shalt  }

// kernel: kernel.14.cloned.1.call-start
scs
__scs_entry_jumppad:
0x0: {  	(pc) =	sbr.rel $0x88, $3  }
0x1: {  	(tag) =	ssettag $0x0;
	lr =	simm.s32 $0x1  }
0x2: {  	[smem:$0x3F96] =	sst lr;
	_ =	strace $0xD0000000  }
0x3: {  	_ = 	snop  }
0x4: {  	_ = 	snop  }
0x5: {  	_ = 	snop  }
0x6: {  	_ = 	snop  }
0x7: {  	_ = 	snop  }
__scs_overlays_trampoline_lowered:
0x8: {  	[smem:$0x3FA5] =	sst s0  }
0x9: {  	[smem:$0x3FA6] =	sst s1  }
0xa: {  	[smem:$0x3FA7] =	sst s2  }
0xb: {  	[smem:$0x3FA8] =	sst s3  }
0xc: {  	[smem:$0x3FA9] =	sst s4  }
0xd: {  	[smem:$0x3FAA] =	sst s5  }
0xe: {  	[smem:$0x3FAB] =	sst s6  }
0xf: {  	[smem:$0x3FAC] =	sst s7  }
0x10: {  	[smem:$0x3FAD] =	sst s8  }
0x11: {  	[smem:$0x3FAE] =	sst s9;
	s0 =	simm.s32 @!p0 $0x0  }
0x12: {  	s1 =	sld [smem:$0x3F94];
	s0 =	simm.s32 @p0 $0x1  }
0x13: {  	[smem:$0x3FAF] =	sst s0;
	s0 =	simm.s32 @!p1 $0x0  }
0x14: {  	s2 =	sld [smem:$0x3F93];
	s0 =	simm.s32 @p1 $0x1  }
0x15: {  	[smem:$0x3FB0] =	sst s0;
	s0 =	simm.s32 @!p2 $0x0  }
0x16: {  	s3 =	sld [smem:$0x3FDB];
	s0 =	simm.s32 @p2 $0x1  }
0x17: {  	s4 =	simm.s32 $0x1BF5;
	[smem:$0x3FB2] =	sst s0  }
0x18: {  	s0 =	sld [smem:$0x3F95];
	_ =	swait.ge [sflag:s4], $0x0  }
0x19: {  	s7 =	sld [smem:$0x3F96]  }
0x1a: {  	s8 =	sadd.s32 $0xFFFFE003, lr  }
0x1b: {  	s9 =	sadd.s32 $0xFFFFFEF7, lr;
	s5 =	simm.s32 $0xFFFFFFFF;
	p2 =	slt.u32 s8, $0xFFFFF086  }
0x1c: {  	p1 =	slt.u32 s9, $0xF7A;
	s5 =	simm.s32 @!p2 $0x0  }
0x1d: {  	s5 =	simm.s32 @p1 $0x1;
	p0 =	seq.s32 s7, s2  }
0x1e: {  	s7 =	smul.u32 @!p0 $0xF7A, s2;
	p2 =	seq.s32 @!p0 s5, $0x0  }
0x1f: {  	s9 =	smul.u32 $0xF7A, s1;
	s8 =	simm.s32 @!p0 $0x1BF5;
	p2 =	por !p2, p0  }
0x20: {  	[sflag:s8] =	ssyncset.s32 @!p0 $0xFFFFF086;
	s6 =	sadd.s32 @!p0 s3, s7;
	s7 =	simm.s32 @!p0 $0x108  }
0x21: {  	s3 =	sadd.s32 s3, s9;
	s6 =	sadd.s32 @!p0 $0x88, s6;
	s7 =	simm.s32 @p2 $0x1082  }
0x22: {  	[simem:s7], [sflag:s8] =	dma.local @!p0 [hbm:s6], $0xF7A  }
0x23: {  	s9 =	sor.u32 $0xD0000000, s2;
	s6 =	simm.s32 $0x108;
	_ =	swait.ge @!p0 [sflag:s8], $0x0  }
0x24: {  	s3 =	sadd.s32 $0x88, s3;
	s6 =	simm.s32 @!p1 $0x1082;
	[sflag:s4] =	ssyncset.s32 $0xFFFFF086  }
0x25: {  	[simem:s6], [sflag:s4] =	dma.local [hbm:s3], $0xF7A  }
0x26: {  	[smem:$0x3F96] =	sst s1;
	(tag) =	ssettag s2;
	_ =	strace s9  }
0x27: {  	s1 =	sld [smem:$0x3FA6]  }
0x28: {  	s2 =	sld [smem:$0x3FA7]  }
0x29: {  	s4 =	sld [smem:$0x3FA9]  }
0x2a: {  	p0 =	seq.s32 s5, $0x0;
	s5 =	sld [smem:$0x3FAA]  }
0x2b: {  	s6 =	sld [smem:$0x3FAB]  }
0x2c: {  	s7 =	sld [smem:$0x3FAC]  }
0x2d: {  	s3 =	simm.s32 $0x108;
	s8 =	sld [smem:$0x3FAD]  }
0x2e: {  	s3 =	simm.s32 @!p0 $0x1082;
	s9 =	sld [smem:$0x3FAE]  }
0x2f: {  	lr =	sadd.s32 s0, s3;
	s0 =	sld [smem:$0x3FA5]  }
0x30: {  	s3 =	sld [smem:$0x3FA8]  }
0x31: {  	[smem:$0x3FB1] =	sst s10  }
0x32: {  	s10 =	sld [smem:$0x3FAF];
	_ =	sdelay $0x3  }
0x33: {  	p0 =	seq.s32 s10, $0x1;
	s10 =	sld [smem:$0x3FB1];
	_ =	sdelay $0x3  }
0x34: {  	[smem:$0x3FB1] =	sst s10  }
0x35: {  	s10 =	sld [smem:$0x3FB0];
	_ =	sdelay $0x3  }
0x36: {  	p1 =	seq.s32 s10, $0x1;
	s10 =	sld [smem:$0x3FB1];
	_ =	sdelay $0x3  }
0x37: {  	[smem:$0x3FB1] =	sst s10  }
0x38: {  	s10 =	sld [smem:$0x3FB2]  }
0x39: {  	_ = 	snop;
	(pc) =	sbr.ind lr, $3  }
0x3a: {  	_ = 	snop  }
0x3b: {  	_ = 	snop  }
0x3c: {  	p2 =	seq.s32 s10, $0x1;
	s10 =	sld [smem:$0x3FB1]  }
0x3d: {  	_ =	shalt  }
0x3e: {  	_ =	shalt  }
0x3f: {  	_ =	shalt  }
0x40: {  	_ =	shalt  }
0x41: {  	_ =	shalt  }
0x42: {  	_ =	shalt  }
0x43: {  	_ =	shalt  }
0x44: {  	_ =	shalt  }
0x45: {  	_ =	shalt  }
0x46: {  	_ =	shalt  }
0x47: {  	_ =	shalt  }
0x48: {  	_ =	shalt  }
0x49: {  	_ =	shalt  }
0x4a: {  	_ =	shalt  }
0x4b: {  	_ =	shalt  }
0x4c: {  	_ =	shalt  }
0x4d: {  	_ =	shalt  }
0x4e: {  	_ =	shalt  }
0x4f: {  	_ =	shalt  }
0x50: {  	_ =	shalt  }
0x51: {  	_ =	shalt  }
0x52: {  	_ =	shalt  }
0x53: {  	_ =	shalt  }
0x54: {  	_ =	shalt  }
0x55: {  	_ =	shalt  }
0x56: {  	_ =	shalt  }
0x57: {  	_ =	shalt  }
0x58: {  	_ =	shalt  }
0x59: {  	_ =	shalt  }
0x5a: {  	_ =	shalt  }
0x5b: {  	_ =	shalt  }
0x5c: {  	_ =	shalt  }
0x5d: {  	_ =	shalt  }
0x5e: {  	_ =	shalt  }
0x5f: {  	_ =	shalt  }
0x60: {  	_ =	shalt  }
0x61: {  	_ =	shalt  }
0x62: {  	_ =	shalt  }
0x63: {  	_ =	shalt  }
0x64: {  	_ =	shalt  }
0x65: {  	_ =	shalt  }
0x66: {  	_ =	shalt  }
0x67: {  	_ =	shalt  }
0x68: {  	_ =	shalt  }
0x69: {  	_ =	shalt  }
0x6a: {  	_ =	shalt  }
0x6b: {  	_ =	shalt  }
0x6c: {  	_ =	shalt  }
0x6d: {  	_ =	shalt  }
0x6e: {  	_ =	shalt  }
0x6f: {  	_ =	shalt  }
0x70: {  	_ =	shalt  }
0x71: {  	_ =	shalt  }
0x72: {  	_ =	shalt  }
0x73: {  	_ =	shalt  }
0x74: {  	_ =	shalt  }
0x75: {  	_ =	shalt  }
0x76: {  	_ =	shalt  }
0x77: {  	_ =	shalt  }
0x78: {  	_ =	shalt  }
0x79: {  	_ =	shalt  }
0x7a: {  	_ =	shalt  }
0x7b: {  	_ =	shalt  }
0x7c: {  	_ =	shalt  }
0x7d: {  	_ =	shalt  }
0x7e: {  	_ =	shalt  }
0x7f: {  	_ =	shalt  }
0x80: {  	_ =	shalt  }
0x81: {  	_ =	shalt  }
0x82: {  	_ =	shalt  }
0x83: {  	_ =	shalt  }
0x84: {  	_ =	shalt  }
0x85: {  	_ =	shalt  }
0x86: {  	_ =	shalt  }
0x87: {  	_ =	shalt  }
.Lfunc_end0:
.L_simem_size_0:
called_computation.1_lowered:
.L_overlay_start_0:
0x88: {  	s2 =	sld [smem:$0x3FD9]  }
0x89: {  	s3 =	sld [smem:$0x3FFE];
	_ =	sdelay $0x1  }
0x8a: {  	s1 =	srdreg.scid  }
0x8b: {  	s0 =	sand.u32 $0x1, s1  }
0x8c: {  	s16 =	sshll.u32 s0, $0xA;
	s2 =	sadd.s32 s3, s2  }
0x8d: {  	s2 =	sadd.s32 s2, s16  }
0x8e: {  	[smem:$0x3FBD] =	sst s2  }
0x8f: {  	_ = 	snop  }
0x90: {  	(tm) =	ssettm $0x1  }
0x91: {  	s17 =	sld [smem:$0x3FFB];
	_ =	sdelay $0x3  }
0x92: {  	_ =	strace s17  }
0x93: {  	s2 =	sld [smem:$0x3FFC];
	_ =	sdelay $0x3  }
0x94: {  	_ =	strace s2  }
0x95: {  	s2 =	sld [smem:$0x3FFD];
	_ =	sdelay $0x3  }
0x96: {  	_ =	strace s2  }
0x97: {  	_ =	strace $0x8FFFFFFF  }
0x98: {  	s18 =	sld [smem:$0x3FDB];
	_ =	sdelay $0x1  }
0x99: {  	s19 =	simm.s32 $_scs_section_size  }
0x9a: {  	s4 =	simm.s32 $_size__tile_overlayer_lowered;
	s5 =	simm.s32 $_tile_overlayer_lowered  }
0x9b: {  	s22 =	simm.s32 $0x1BFF;
	s21 =	sshll.u32 s5, $0x1;
	s2 =	sadd.s32 s19, s18  }
0x9c: {  	s6 =	simm.s32 $0x0;
	s20 =	sshll.u32 s4, $0x1;
	s4 =	sadd.s32 s21, s2  }
0x9d: {  	[timem:s6], [sflag:s22] =	dma.local [hbm:s4], s20  }
0x9e: {  	_ =	swait.ge [sflag:s22], s20  }
0x9f: {  	s3 =	ssub.s32 $0x0, s20;
	[sflag:s22] =	ssyncset.done $0x0  }
0xa0: {  	[sflag:s22] =	ssyncadd.s32 s3;
	_ =	sdelay $0x1  }
0xa1: {  	s23 =	simm.s32 $0x1B8B  }
0xa2: {  	_ =	swait.ge [sflag:s23], $0x1  }
0xa3: {  	[sflag:s23] =	ssyncset.done $0x0  }
0xa4: {  	s25 =	simm.s32 $0x1B8E;
	s24 =	sld [smem:$0x3FFE];
	[sflag:s23] =	ssyncadd.s32 $0xFFFFFFFF  }
0xa5: {  	s26 =	simm.s32 $execute0_lowered;
	[smem:$0x3FD2] =	sst s25  }
0xa6: {  	s4 =	sshll.u32 s26, $0x1;
	_ =	strace $0x80000049;
	[dreg:$0x1] =	wrdreg $0xFFFFFFFF  }
0xa7: {  	s28 =	simm.s32 $_size_execute0_lowered;
	s2 =	sadd.s32 s2, s4;
	[dreg:$0x0] =	wrdreg $0x0  }
0xa8: {  	s4 =	sshll.u32 s28, $0x1;
	[dreg:$0x2] =	wrdreg s2  }
0xa9: {  	[dreg:$0x3] =	wrdreg s4  }
0xaa: {  	[dreg:$0x4] =	wrdreg $0xC0  }
0xab: {  	_ =	task [dreg:s6], $0x5FFFF  }
0xac: {  	[dreg:$0x1] =	wrdreg $0xFFFFFFFF  }
0xad: {  	[dreg:$0x0] =	wrdreg $0x60  }
0xae: {  	[dreg:$0x2] =	wrdreg s24  }
0xaf: {  	[dreg:$0x3] =	wrdreg $0x69000  }
0xb0: {  	[dreg:$0x4] =	wrdreg $0x9  }
0xb1: {  	_ =	task.clear_ibuf [dreg:s6], $0x5FFFF;
	_ =	strace $0x90000049  }
0xb2: {  	s29 =	simm.s32 $0x9;
	_ =	strace $0x8000004B  }
0xb3: {  	_ =	swait.ge [sflag:s29], $0x1  }
0xb4: {  	[sflag:s29] =	ssyncadd.s32 $0xFFFFFFFF  }
0xb5: {  	_ =	strace $0x9000004B  }
0xb6: {  	_ =	sfence  }
0xb7: {  	s30 =	sld [smem:$0x0];
	_ =	sdelay $0x2  }
0xb8: {  	s31 =	sshll.u32 s1, $0xD;
	s1 =	sshrl.u32 s1, $0x2  }
0xb9: {  	s3 =	sand.u32 $0x4000, s31;
	s1 =	sadd.s32 s1, s30  }
0xba: {  	s0 =	sor.u32 s3, s0;
	s1 =	sshll.u32 s1, $0x11  }
0xbb: {  	s0 =	sor.u32 s1, s0  }
0xbc: {  	s0 =	sadd.s32 $0x8F2B, s0  }
0xbd: {  	[sflag:s0] =	ssyncadd.remote.s32 $0x1  }
0xbe: {  	_ =	sfence.sel $0xFFFF  }
0xbf: {  	[dreg:$0x0] =	wrdreg $0xFFFFFFFF;
	(pc) =	sbr.abs _section_cstart, $3  }
0xc0: {  	[dreg:$0x1] =	wrdreg $0xFFFFFFFF  }
0xc1: {  	_ =	task.clear_ibuf [dreg:s6], $0x2FFFF;
	_ =	strace $0x9FFFFFFF  }
0xc2: {  	(tm) =	ssettm $0x7FFFFFFF  }
0xc3: {  	_ =	shalt  }
tec
execute0_lowered:
.L_overlay_start_1:
0x0: {  	(tag) =	ssettag $0x1  }
0x1: {  	s5 =	rddreg [dreg:$0x0]  }
0x2: {  	s1 =	rddreg [dreg:$0x1];
	s2 =	srdreg.scid  }
0x3: {  	s0 =	rddreg [dreg:$0x2];
	s3 =	simm.s32 $0x0;
	s13 =	simm.s32 $0x2900  }
0x4: {  	s14 =	simm.s32 $0x2;
	s15 =	simm.s32 $0x80;
	s6 =	sand.u32 $0x1, s2  }
0x5: {  	s16 =	simm.s32 $0x50;
	s2 =	stileid.u32;
	s7 =	smul.u32 $0x27100, s6  }
0x6: {  	s17 =	simm.s32 $0x100;
	s18 =	simm.s32 $0x1;
	s8 =	smul.u32 $0x2710, s2  }
0x7: {  	s21 =	simm.s32 $0x0;
	[smem:$0x7FF] =	sst s3;
	s9 =	smul.u32 $0x27800, s6  }
0x8: {  	s4 =	sadd.s32 $0x18200, s5;
	_ =	strace $0x8000004A;
	s28 =	smul.u32 $0x2780, s2  }
0x9: {  	s6 =	ssub.s32 $0x2, s6;
	s10 =	smul.u32 $0x4F000, s2;
	s19 =	sshll.u32 s2, $0x6  }
0xa: {  	s30 =	sshrl.u32 s6, $0x1;
	s19 =	sor.u32 $0x1C02, s19;
	s7 =	sadd.s32 s8, s7  }
0xb: {  	s29 =	sadd.s32 s28, s9;
	s8 =	ssub.s32 s6, s30;
	s7 =	sshrl.u32 s7, $0x3  }
0xc: {  	s31 =	sshrl.u32 s10, $0x2;
	s12 =	sadd.s32 s7, s5;
	s7 =	sadd.s32 s29, s5  }
0xd: {  	s5 =	sadd.s32 s31, s1;
	s6 =	sadd.s32 $0x67800, s7;
	s7 =	smax.u32 s8, $0x1  }
0xe: {  	s8 =	sadd.s32 $0x4000, s5;
	s9 =	sadd.s32 $0x8000, s5;
	s10 =	sadd.s32 $0xC000, s5  }
0xf: {  	v0 =	vimm.f32 $0.0e+00;
	s11 =	sadd.s32 $0x4600, s12;
	s12 =	sadd.s32 $0xE400, s12;
	s20 =	sshrl.u32 s5, $0x3  }
.LBB2_1:
0x10: {  	s22 =	sand.u32 $0xFE00, s3  }
0x11: {  	s23 =	sand.u32 $0x70, s3;
	s24 =	sshrl.u32 s22, $0x2  }
0x12: {  	s22 =	simm.s32 $0x40;
	s24 =	sor.u32 s23, s24;
	s23 =	simm.s32 $0x0  }
.LBB2_2:
0x13: {  	p0 =	sne.s32 s22, $0xFFC0  }
0x14: {  	[tilespmem:s24+$0x2900] =	vst v0;
	s23 =	sadd.s32 $0x10, s23;
	s24 =	smov.u32 s22;
	s22 =	sadd.s32 $0x40, s22  }
.Ltmp0:
0x15: {  	(pc) =	sbr.rel @p0 .LBB2_2-.Ltmp0, $4  }
0x16: {  	_ = 	snop  }
0x17: {  	s24 =	sand.u32 $0xFE00, s24  }
0x18: {  	s25 =	sand.u32 $0x70, s23;
	s24 =	sshrl.u32 s24, $0x2  }
0x19: {  	s24 =	sor.u32 s25, s24  }
0x1a: {  	[tilespmem:s24+$0x2900] =	vst v0  }
0x1b: {  	[spmem:s5] =	stream.linear.scatter [tilespmem:s13], [sflag:$0x2], $0x4000, $0x38;
	[tilespmem:$0x1A500] =	vst v63  }
0x1c: {  	_ =	swait.ge [sflag:s14], $0x4000  }
0x1d: {  	[sflag:s14] =	ssyncset.done $0x0  }
0x1e: {  	[sflag:s14] =	ssyncadd.s32 $0xFFFFC000  }
0x1f: {  	[spmem:s8] =	stream.linear.scatter [tilespmem:s13], [sflag:$0x2], $0x4000, $0x38;
	[tilespmem:$0x1A500] =	vst v63  }
0x20: {  	_ =	swait.ge [sflag:s14], $0x4000  }
0x21: {  	[sflag:s14] =	ssyncset.done $0x0  }
0x22: {  	[sflag:s14] =	ssyncadd.s32 $0xFFFFC000  }
0x23: {  	[spmem:s9] =	stream.linear.scatter [tilespmem:s13], [sflag:$0x2], $0x4000, $0x38;
	[tilespmem:$0x1A500] =	vst v63  }
0x24: {  	_ =	swait.ge [sflag:s14], $0x4000  }
0x25: {  	[sflag:s14] =	ssyncset.done $0x0  }
0x26: {  	[sflag:s14] =	ssyncadd.s32 $0xFFFFC000  }
0x27: {  	[spmem:s10] =	stream.linear.scatter [tilespmem:s13], [sflag:$0x2], $0x4000, $0x38;
	[tilespmem:$0x1A500] =	vst v63  }
0x28: {  	_ =	swait.ge [sflag:s14], $0x4000  }
0x29: {  	[sflag:s14] =	ssyncset.done $0x0  }
0x2a: {  	[sflag:s14] =	ssyncadd.s32 $0xFFFFC000  }
0x2b: {  	s22 =	sadd.s32 $0x0, s12;
	[bflag:$0x0] =	sbarrier.arrive $0xFFFF  }
0x2c: {  	[tilespmem:s3], [sflag:$0x2] =	stream.linear.gather [hbm4b:s22+s3], $0x50, $0x38;
	[tilespmem:$0x1A500] =	vst v63  }
0x2d: {  	_ =	swait.ge [sflag:s14], $0x50  }
0x2e: {  	[sflag:s14] =	ssyncset.done $0x0  }
0x2f: {  	s31 =	sadd.s32 $0x0, s11;
	[sflag:s14] =	ssyncadd.s32 $0xFFFFFFB0  }
0x30: {  	[tilespmem:s15], [sflag:$0x2] =	stream.linear.gather [hbm4b:s31+s3], $0x50, $0x38;
	[tilespmem:$0x1A500] =	vst v63  }
0x31: {  	_ =	swait.ge [sflag:s14], $0x50  }
0x32: {  	[sflag:s14] =	ssyncset.done $0x0  }
0x33: {  	[sflag:s14] =	ssyncadd.s32 $0xFFFFFFB0  }
0x34: {  	[tilespmem:s17], [sflag:$0x1] =	stream.indirect.gather [hbm4b:s4+s16], $0x80, s3, s16, $0xb8;
	[tilespmem:$0x1A500] =	vst v63  }
0x35: {  	_ =	swait.ge [sflag:s18], $0x2800  }
0x36: {  	[sflag:s18] =	ssyncset.done $0x0  }
0x37: {  	[sflag:s18] =	ssyncadd.s32 $0xFFFFD800  }
0x38: {  	[spmem:s1] =	stream.indirect.scatter.add.f32 [tilespmem:s17], [sflag:$0x2], $0x80, s15, s16, $0xb8;
	[tilespmem:$0x1A500] =	vst v63  }
0x39: {  	_ =	swait.ge [sflag:s14], $0x2800  }
0x3a: {  	s23 =	simm.s32 $0x14;
	s22 =	simm.s32 $0xA;
	[sflag:s14] =	ssyncset.done $0x0  }
.LBB2_4:
0x3b: {  	s24 =	sadd.s32 s22, s12  }
0x3c: {  	[sflag:s14] =	ssyncadd.s32 $0xFFFFD800;
	s25 =	smov.u32 s23;
	s26 =	sadd.s32 $0xA, s23  }
0x3d: {  	[tilespmem:s3], [sflag:$0x2] =	stream.linear.gather [hbm4b:s24+s3], $0x50, $0x38;
	[tilespmem:$0x1A500] =	vst v63  }
0x3e: {  	p0 =	sne.s32 s23, $0x4D8;
	_ =	swait.ge [sflag:s14], $0x50  }
0x3f: {  	[sflag:s14] =	ssyncset.done $0x0  }
0x40: {  	s23 =	sadd.s32 s22, s11;
	s22 =	smov.u32 s25;
	[sflag:s14] =	ssyncadd.s32 $0xFFFFFFB0  }
0x41: {  	[tilespmem:s15], [sflag:$0x2] =	stream.linear.gather [hbm4b:s23+s3], $0x50, $0x38;
	[tilespmem:$0x1A500] =	vst v63  }
0x42: {  	_ =	swait.ge [sflag:s14], $0x50  }
0x43: {  	[sflag:s14] =	ssyncset.done $0x0  }
0x44: {  	[sflag:s14] =	ssyncadd.s32 $0xFFFFFFB0  }
0x45: {  	[tilespmem:s17], [sflag:$0x1] =	stream.indirect.gather [hbm4b:s4+s16], $0x80, s3, s16, $0xb8;
	[tilespmem:$0x1A500] =	vst v63  }
0x46: {  	_ =	swait.ge [sflag:s18], $0x2800  }
.Ltmp1:
0x47: {  	[sflag:s18] =	ssyncset.done $0x0;
	(pc) =	sbr.rel @p0 .LBB2_4-.Ltmp1, $4  }
0x48: {  	[sflag:s18] =	ssyncadd.s32 $0xFFFFD800  }
0x49: {  	[spmem:s1] =	stream.indirect.scatter.add.f32 [tilespmem:s17], [sflag:$0x2], $0x80, s15, s16, $0xb8;
	[tilespmem:$0x1A500] =	vst v63  }
0x4a: {  	_ =	swait.ge [sflag:s14], $0x2800  }
0x4b: {  	s23 =	smov.u32 s26;
	[sflag:s14] =	ssyncset.done $0x0  }
0x4c: {  	s23 =	sadd.s32 s22, s12;
	[sflag:s14] =	ssyncadd.s32 $0xFFFFD800  }
0x4d: {  	[tilespmem:s3], [sflag:$0x2] =	stream.linear.gather [hbm4b:s23+s3], $0x50, $0x38;
	[tilespmem:$0x1A500] =	vst v63  }
0x4e: {  	_ =	swait.ge [sflag:s14], $0x50  }
0x4f: {  	[sflag:s14] =	ssyncset.done $0x0  }
0x50: {  	s31 =	sadd.s32 s22, s11;
	[sflag:s14] =	ssyncadd.s32 $0xFFFFFFB0  }
0x51: {  	[tilespmem:s15], [sflag:$0x2] =	stream.linear.gather [hbm4b:s31+s3], $0x50, $0x38;
	[tilespmem:$0x1A500] =	vst v63  }
0x52: {  	_ =	swait.ge [sflag:s14], $0x50  }
0x53: {  	[sflag:s14] =	ssyncset.done $0x0  }
0x54: {  	[sflag:s14] =	ssyncadd.s32 $0xFFFFFFB0  }
0x55: {  	[tilespmem:s17], [sflag:$0x1] =	stream.indirect.gather [hbm4b:s4+s16], $0x80, s3, s16, $0xb8;
	[tilespmem:$0x1A500] =	vst v63  }
0x56: {  	_ =	swait.ge [sflag:s18], $0x2800  }
0x57: {  	[sflag:s18] =	ssyncset.done $0x0  }
0x58: {  	[sflag:s18] =	ssyncadd.s32 $0xFFFFD800  }
0x59: {  	[spmem:s1] =	stream.indirect.scatter.add.f32 [tilespmem:s17], [sflag:$0x2], $0x80, s15, s16, $0xb8;
	[tilespmem:$0x1A500] =	vst v63  }
0x5a: {  	_ =	swait.ge [sflag:s14], $0x2800  }
0x5b: {  	s21 =	sadd.s32 $0x1, s21;
	[sflag:s14] =	ssyncset.done $0x0  }
0x5c: {  	p0 =	sne.s32 s21, s7;
	[sflag:s14] =	ssyncadd.s32 $0xFFFFD800  }
.Ltmp2:
0x5d: {  	[bflag:$0x0] =	sbarrier.arrive $0xFFFF;
	(pc) =	sbr.rel @p0 .LBB2_1-.Ltmp2, $4  }
0x5e: {  	[hbm:s6], [sflag:s19] =	dma.local [spmem:s20], $0x2780  }
0x5f: {  	_ =	swait.ge [sflag:s14], $0x2780  }
0x60: {  	[sflag:s14] =	ssyncset.done $0x0  }
0x61: {  	[sflag:s14] =	ssyncadd.s32 $0xFFFFD880  }
0x62: {  	_ =	sfence.sel $0x180000  }
0x63: {  	[bflag:$0x0] =	sbarrier.arrive $0xFFFF  }
0x64: {  	p0 =	sne.s32 s2, $0x0;
	_ =	strace $0x9000004A  }
0x65: {  	s0 =	sadd.s32 @!p0 $0x100000, s0;
	[bflag:$0x2] =	sbarrier.arrive $0xFFFF  }
0x66: {  	[sflag:s0] =	ssyncadd.tile.s32 @!p0 $0x1;
	_ =	shalt  }
.Lfunc_end2:
_tile_overlayer_lowered:
.L_overlay_start_2:
0x67: {  	(tag) =	ssettag $0x2  }
0x68: {  	s0 =	rddreg [dreg:$0x0];
	s2 =	stileid.u32  }
0x69: {  	s1 =	rddreg [dreg:$0x1];
	p0 =	sne.s32 s2, $0x0  }
0x6a: {  	s3 =	rddreg [dreg:$0x2];
	[bflag:$0x3] =	sbarrier.arrive $0xFFFF;
	s2 =	simm.s32 @!p0 $0x1C02  }
0x6b: {  	[timem:s3], [sflag:s2] =	dma.local @!p0 [hbm:s0], s1  }
0x6c: {  	s0 =	simm.s32 @!p0 $0x2  }
0x6d: {  	_ =	swait.ge @!p0 [sflag:s0], s1  }
0x6e: {  	s1 =	ssub.s32 @!p0 $0x0, s1;
	[sflag:s0] =	ssyncset.done @!p0 $0x0  }
0x6f: {  	[sflag:s0] =	ssyncadd.s32 @!p0 s1  }
0x70: {  	[bflag:$0x3] =	sbarrier.arrive $0xFFFF  }
0x71: {  	_ =	shalt  }

// kernel: kernel.17.cloned.1.call-start
scs
__scs_entry_jumppad:
0x0: {  	(pc) =	sbr.rel $0x88, $3  }
0x1: {  	(tag) =	ssettag $0x0;
	lr =	simm.s32 $0x1  }
0x2: {  	[smem:$0x3F96] =	sst lr;
	_ =	strace $0xD0000000  }
0x3: {  	_ = 	snop  }
0x4: {  	_ = 	snop  }
0x5: {  	_ = 	snop  }
0x6: {  	_ = 	snop  }
0x7: {  	_ = 	snop  }
__scs_overlays_trampoline_lowered:
0x8: {  	[smem:$0x3FA5] =	sst s0  }
0x9: {  	[smem:$0x3FA6] =	sst s1  }
0xa: {  	[smem:$0x3FA7] =	sst s2  }
0xb: {  	[smem:$0x3FA8] =	sst s3  }
0xc: {  	[smem:$0x3FA9] =	sst s4  }
0xd: {  	[smem:$0x3FAA] =	sst s5  }
0xe: {  	[smem:$0x3FAB] =	sst s6  }
0xf: {  	[smem:$0x3FAC] =	sst s7  }
0x10: {  	[smem:$0x3FAD] =	sst s8  }
0x11: {  	[smem:$0x3FAE] =	sst s9;
	s0 =	simm.s32 @!p0 $0x0  }
0x12: {  	s1 =	sld [smem:$0x3F94];
	s0 =	simm.s32 @p0 $0x1  }
0x13: {  	[smem:$0x3FAF] =	sst s0;
	s0 =	simm.s32 @!p1 $0x0  }
0x14: {  	s2 =	sld [smem:$0x3F93];
	s0 =	simm.s32 @p1 $0x1  }
0x15: {  	[smem:$0x3FB0] =	sst s0;
	s0 =	simm.s32 @!p2 $0x0  }
0x16: {  	s3 =	sld [smem:$0x3FDB];
	s0 =	simm.s32 @p2 $0x1  }
0x17: {  	s4 =	simm.s32 $0x1BF5;
	[smem:$0x3FB2] =	sst s0  }
0x18: {  	s0 =	sld [smem:$0x3F95];
	_ =	swait.ge [sflag:s4], $0x0  }
0x19: {  	s7 =	sld [smem:$0x3F96]  }
0x1a: {  	s8 =	sadd.s32 $0xFFFFE003, lr  }
0x1b: {  	s9 =	sadd.s32 $0xFFFFFEF7, lr;
	s5 =	simm.s32 $0xFFFFFFFF;
	p2 =	slt.u32 s8, $0xFFFFF086  }
0x1c: {  	p1 =	slt.u32 s9, $0xF7A;
	s5 =	simm.s32 @!p2 $0x0  }
0x1d: {  	s5 =	simm.s32 @p1 $0x1;
	p0 =	seq.s32 s7, s2  }
0x1e: {  	s7 =	smul.u32 @!p0 $0xF7A, s2;
	p2 =	seq.s32 @!p0 s5, $0x0  }
0x1f: {  	s9 =	smul.u32 $0xF7A, s1;
	s8 =	simm.s32 @!p0 $0x1BF5;
	p2 =	por !p2, p0  }
0x20: {  	[sflag:s8] =	ssyncset.s32 @!p0 $0xFFFFF086;
	s6 =	sadd.s32 @!p0 s3, s7;
	s7 =	simm.s32 @!p0 $0x108  }
0x21: {  	s3 =	sadd.s32 s3, s9;
	s6 =	sadd.s32 @!p0 $0x88, s6;
	s7 =	simm.s32 @p2 $0x1082  }
0x22: {  	[simem:s7], [sflag:s8] =	dma.local @!p0 [hbm:s6], $0xF7A  }
0x23: {  	s9 =	sor.u32 $0xD0000000, s2;
	s6 =	simm.s32 $0x108;
	_ =	swait.ge @!p0 [sflag:s8], $0x0  }
0x24: {  	s3 =	sadd.s32 $0x88, s3;
	s6 =	simm.s32 @!p1 $0x1082;
	[sflag:s4] =	ssyncset.s32 $0xFFFFF086  }
0x25: {  	[simem:s6], [sflag:s4] =	dma.local [hbm:s3], $0xF7A  }
0x26: {  	[smem:$0x3F96] =	sst s1;
	(tag) =	ssettag s2;
	_ =	strace s9  }
0x27: {  	s1 =	sld [smem:$0x3FA6]  }
0x28: {  	s2 =	sld [smem:$0x3FA7]  }
0x29: {  	s4 =	sld [smem:$0x3FA9]  }
0x2a: {  	p0 =	seq.s32 s5, $0x0;
	s5 =	sld [smem:$0x3FAA]  }
0x2b: {  	s6 =	sld [smem:$0x3FAB]  }
0x2c: {  	s7 =	sld [smem:$0x3FAC]  }
0x2d: {  	s3 =	simm.s32 $0x108;
	s8 =	sld [smem:$0x3FAD]  }
0x2e: {  	s3 =	simm.s32 @!p0 $0x1082;
	s9 =	sld [smem:$0x3FAE]  }
0x2f: {  	lr =	sadd.s32 s0, s3;
	s0 =	sld [smem:$0x3FA5]  }
0x30: {  	s3 =	sld [smem:$0x3FA8]  }
0x31: {  	[smem:$0x3FB1] =	sst s10  }
0x32: {  	s10 =	sld [smem:$0x3FAF];
	_ =	sdelay $0x3  }
0x33: {  	p0 =	seq.s32 s10, $0x1;
	s10 =	sld [smem:$0x3FB1];
	_ =	sdelay $0x3  }
0x34: {  	[smem:$0x3FB1] =	sst s10  }
0x35: {  	s10 =	sld [smem:$0x3FB0];
	_ =	sdelay $0x3  }
0x36: {  	p1 =	seq.s32 s10, $0x1;
	s10 =	sld [smem:$0x3FB1];
	_ =	sdelay $0x3  }
0x37: {  	[smem:$0x3FB1] =	sst s10  }
0x38: {  	s10 =	sld [smem:$0x3FB2]  }
0x39: {  	_ = 	snop;
	(pc) =	sbr.ind lr, $3  }
0x3a: {  	_ = 	snop  }
0x3b: {  	_ = 	snop  }
0x3c: {  	p2 =	seq.s32 s10, $0x1;
	s10 =	sld [smem:$0x3FB1]  }
0x3d: {  	_ =	shalt  }
0x3e: {  	_ =	shalt  }
0x3f: {  	_ =	shalt  }
0x40: {  	_ =	shalt  }
0x41: {  	_ =	shalt  }
0x42: {  	_ =	shalt  }
0x43: {  	_ =	shalt  }
0x44: {  	_ =	shalt  }
0x45: {  	_ =	shalt  }
0x46: {  	_ =	shalt  }
0x47: {  	_ =	shalt  }
0x48: {  	_ =	shalt  }
0x49: {  	_ =	shalt  }
0x4a: {  	_ =	shalt  }
0x4b: {  	_ =	shalt  }
0x4c: {  	_ =	shalt  }
0x4d: {  	_ =	shalt  }
0x4e: {  	_ =	shalt  }
0x4f: {  	_ =	shalt  }
0x50: {  	_ =	shalt  }
0x51: {  	_ =	shalt  }
0x52: {  	_ =	shalt  }
0x53: {  	_ =	shalt  }
0x54: {  	_ =	shalt  }
0x55: {  	_ =	shalt  }
0x56: {  	_ =	shalt  }
0x57: {  	_ =	shalt  }
0x58: {  	_ =	shalt  }
0x59: {  	_ =	shalt  }
0x5a: {  	_ =	shalt  }
0x5b: {  	_ =	shalt  }
0x5c: {  	_ =	shalt  }
0x5d: {  	_ =	shalt  }
0x5e: {  	_ =	shalt  }
0x5f: {  	_ =	shalt  }
0x60: {  	_ =	shalt  }
0x61: {  	_ =	shalt  }
0x62: {  	_ =	shalt  }
0x63: {  	_ =	shalt  }
0x64: {  	_ =	shalt  }
0x65: {  	_ =	shalt  }
0x66: {  	_ =	shalt  }
0x67: {  	_ =	shalt  }
0x68: {  	_ =	shalt  }
0x69: {  	_ =	shalt  }
0x6a: {  	_ =	shalt  }
0x6b: {  	_ =	shalt  }
0x6c: {  	_ =	shalt  }
0x6d: {  	_ =	shalt  }
0x6e: {  	_ =	shalt  }
0x6f: {  	_ =	shalt  }
0x70: {  	_ =	shalt  }
0x71: {  	_ =	shalt  }
0x72: {  	_ =	shalt  }
0x73: {  	_ =	shalt  }
0x74: {  	_ =	shalt  }
0x75: {  	_ =	shalt  }
0x76: {  	_ =	shalt  }
0x77: {  	_ =	shalt  }
0x78: {  	_ =	shalt  }
0x79: {  	_ =	shalt  }
0x7a: {  	_ =	shalt  }
0x7b: {  	_ =	shalt  }
0x7c: {  	_ =	shalt  }
0x7d: {  	_ =	shalt  }
0x7e: {  	_ =	shalt  }
0x7f: {  	_ =	shalt  }
0x80: {  	_ =	shalt  }
0x81: {  	_ =	shalt  }
0x82: {  	_ =	shalt  }
0x83: {  	_ =	shalt  }
0x84: {  	_ =	shalt  }
0x85: {  	_ =	shalt  }
0x86: {  	_ =	shalt  }
0x87: {  	_ =	shalt  }
.Lfunc_end0:
.L_simem_size_0:
called_computation.2_lowered:
.L_overlay_start_0:
0x88: {  	s2 =	sld [smem:$0x3FD9]  }
0x89: {  	s3 =	sld [smem:$0x3FFE];
	_ =	sdelay $0x1  }
0x8a: {  	s1 =	srdreg.scid  }
0x8b: {  	s0 =	sand.u32 $0x1, s1  }
0x8c: {  	s16 =	sshll.u32 s0, $0xA;
	s2 =	sadd.s32 s3, s2  }
0x8d: {  	s2 =	sadd.s32 s2, s16  }
0x8e: {  	[smem:$0x3FBD] =	sst s2  }
0x8f: {  	_ = 	snop  }
0x90: {  	(tm) =	ssettm $0x1  }
0x91: {  	s17 =	sld [smem:$0x3FFB];
	_ =	sdelay $0x3  }
0x92: {  	_ =	strace s17  }
0x93: {  	s2 =	sld [smem:$0x3FFC];
	_ =	sdelay $0x3  }
0x94: {  	_ =	strace s2  }
0x95: {  	s2 =	sld [smem:$0x3FFD];
	_ =	sdelay $0x3  }
0x96: {  	_ =	strace s2  }
0x97: {  	_ =	strace $0x8FFFFFFF  }
0x98: {  	s18 =	sld [smem:$0x3FDB];
	_ =	sdelay $0x1  }
0x99: {  	s19 =	simm.s32 $_scs_section_size  }
0x9a: {  	s4 =	simm.s32 $_size__tile_overlayer_lowered;
	s5 =	simm.s32 $_tile_overlayer_lowered  }
0x9b: {  	s22 =	simm.s32 $0x1BFF;
	s21 =	sshll.u32 s5, $0x1;
	s2 =	sadd.s32 s19, s18  }
0x9c: {  	s6 =	simm.s32 $0x0;
	s20 =	sshll.u32 s4, $0x1;
	s4 =	sadd.s32 s21, s2  }
0x9d: {  	[timem:s6], [sflag:s22] =	dma.local [hbm:s4], s20  }
0x9e: {  	_ =	swait.ge [sflag:s22], s20  }
0x9f: {  	s3 =	ssub.s32 $0x0, s20;
	[sflag:s22] =	ssyncset.done $0x0  }
0xa0: {  	[sflag:s22] =	ssyncadd.s32 s3;
	_ =	sdelay $0x1  }
0xa1: {  	s23 =	simm.s32 $0x1B8B  }
0xa2: {  	_ =	swait.ge [sflag:s23], $0x1  }
0xa3: {  	[sflag:s23] =	ssyncset.done $0x0  }
0xa4: {  	s25 =	simm.s32 $0x1B8E;
	s24 =	sld [smem:$0x3FFE];
	[sflag:s23] =	ssyncadd.s32 $0xFFFFFFFF  }
0xa5: {  	s26 =	simm.s32 $execute0_lowered;
	[smem:$0x3FD2] =	sst s25  }
0xa6: {  	s4 =	sshll.u32 s26, $0x1;
	_ =	strace $0x8000004C;
	[dreg:$0x1] =	wrdreg $0xFFFFFFFF  }
0xa7: {  	s28 =	simm.s32 $_size_execute0_lowered;
	s2 =	sadd.s32 s2, s4;
	[dreg:$0x0] =	wrdreg $0x0  }
0xa8: {  	s4 =	sshll.u32 s28, $0x1;
	[dreg:$0x2] =	wrdreg s2  }
0xa9: {  	[dreg:$0x3] =	wrdreg s4  }
0xaa: {  	[dreg:$0x4] =	wrdreg $0xC0  }
0xab: {  	_ =	task [dreg:s6], $0x5FFFF  }
0xac: {  	[dreg:$0x1] =	wrdreg $0xFFFFFFFF  }
0xad: {  	[dreg:$0x0] =	wrdreg $0x60  }
0xae: {  	[dreg:$0x2] =	wrdreg s24  }
0xaf: {  	[dreg:$0x3] =	wrdreg $0x69000  }
0xb0: {  	[dreg:$0x4] =	wrdreg $0x9  }
0xb1: {  	_ =	task.clear_ibuf [dreg:s6], $0x5FFFF;
	_ =	strace $0x9000004C  }
0xb2: {  	s29 =	simm.s32 $0x9;
	_ =	strace $0x8000004E  }
0xb3: {  	_ =	swait.ge [sflag:s29], $0x1  }
0xb4: {  	[sflag:s29] =	ssyncadd.s32 $0xFFFFFFFF  }
0xb5: {  	_ =	strace $0x9000004E  }
0xb6: {  	_ =	sfence  }
0xb7: {  	s30 =	sld [smem:$0x0];
	_ =	sdelay $0x2  }
0xb8: {  	s31 =	sshll.u32 s1, $0xD;
	s1 =	sshrl.u32 s1, $0x2  }
0xb9: {  	s3 =	sand.u32 $0x4000, s31;
	s1 =	sadd.s32 s1, s30  }
0xba: {  	s0 =	sor.u32 s3, s0;
	s1 =	sshll.u32 s1, $0x11  }
0xbb: {  	s0 =	sor.u32 s1, s0  }
0xbc: {  	s0 =	sadd.s32 $0x8F2B, s0  }
0xbd: {  	[sflag:s0] =	ssyncadd.remote.s32 $0x1  }
0xbe: {  	_ =	sfence.sel $0xFFFF  }
0xbf: {  	[dreg:$0x0] =	wrdreg $0xFFFFFFFF;
	(pc) =	sbr.abs _section_cstart, $3  }
0xc0: {  	[dreg:$0x1] =	wrdreg $0xFFFFFFFF  }
0xc1: {  	_ =	task.clear_ibuf [dreg:s6], $0x2FFFF;
	_ =	strace $0x9FFFFFFF  }
0xc2: {  	(tm) =	ssettm $0x7FFFFFFF  }
0xc3: {  	_ =	shalt  }
tec
execute0_lowered:
.L_overlay_start_1:
0x0: {  	(tag) =	ssettag $0x1  }
0x1: {  	s5 =	rddreg [dreg:$0x0]  }
0x2: {  	s1 =	rddreg [dreg:$0x1];
	s2 =	srdreg.scid  }
0x3: {  	s0 =	rddreg [dreg:$0x2];
	s3 =	simm.s32 $0x0;
	s13 =	simm.s32 $0x2900  }
0x4: {  	s14 =	simm.s32 $0x2;
	s15 =	simm.s32 $0x80;
	s6 =	sand.u32 $0x1, s2  }
0x5: {  	s16 =	simm.s32 $0x50;
	s2 =	stileid.u32;
	s7 =	smul.u32 $0x27100, s6  }
0x6: {  	s17 =	simm.s32 $0x100;
	s18 =	simm.s32 $0x1;
	s8 =	smul.u32 $0x2710, s2  }
0x7: {  	s21 =	simm.s32 $0x0;
	[smem:$0x7FF] =	sst s3;
	s9 =	smul.u32 $0x27800, s6  }
0x8: {  	s4 =	sadd.s32 $0x18200, s5;
	_ =	strace $0x8000004D;
	s28 =	smul.u32 $0x2780, s2  }
0x9: {  	s6 =	ssub.s32 $0x2, s6;
	s10 =	smul.u32 $0x4F000, s2;
	s19 =	sshll.u32 s2, $0x6  }
0xa: {  	s30 =	sshrl.u32 s6, $0x1;
	s19 =	sor.u32 $0x1C02, s19;
	s7 =	sadd.s32 s8, s7  }
0xb: {  	s29 =	sadd.s32 s28, s9;
	s8 =	ssub.s32 s6, s30;
	s7 =	sshrl.u32 s7, $0x3  }
0xc: {  	s31 =	sshrl.u32 s10, $0x2;
	s12 =	sadd.s32 s7, s5;
	s7 =	sadd.s32 s29, s5  }
0xd: {  	s5 =	sadd.s32 s31, s1;
	s6 =	sadd.s32 $0x67800, s7;
	s7 =	smax.u32 s8, $0x1  }
0xe: {  	s8 =	sadd.s32 $0x4000, s5;
	s9 =	sadd.s32 $0x8000, s5;
	s10 =	sadd.s32 $0xC000, s5  }
0xf: {  	v0 =	vimm.f32 $0.0e+00;
	s11 =	sadd.s32 $0x4600, s12;
	s12 =	sadd.s32 $0xE400, s12;
	s20 =	sshrl.u32 s5, $0x3  }
.LBB2_1:
0x10: {  	s22 =	sand.u32 $0xFE00, s3  }
0x11: {  	s23 =	sand.u32 $0x70, s3;
	s24 =	sshrl.u32 s22, $0x2  }
0x12: {  	s22 =	simm.s32 $0x40;
	s24 =	sor.u32 s23, s24;
	s23 =	simm.s32 $0x0  }
.LBB2_2:
0x13: {  	p0 =	sne.s32 s22, $0xFFC0  }
0x14: {  	[tilespmem:s24+$0x2900] =	vst v0;
	s23 =	sadd.s32 $0x10, s23;
	s24 =	smov.u32 s22;
	s22 =	sadd.s32 $0x40, s22  }
.Ltmp0:
0x15: {  	(pc) =	sbr.rel @p0 .LBB2_2-.Ltmp0, $4  }
0x16: {  	_ = 	snop  }
0x17: {  	s24 =	sand.u32 $0xFE00, s24  }
0x18: {  	s25 =	sand.u32 $0x70, s23;
	s24 =	sshrl.u32 s24, $0x2  }
0x19: {  	s24 =	sor.u32 s25, s24  }
0x1a: {  	[tilespmem:s24+$0x2900] =	vst v0  }
0x1b: {  	[spmem:s5] =	stream.linear.scatter [tilespmem:s13], [sflag:$0x2], $0x4000, $0x38;
	[tilespmem:$0x1A500] =	vst v63  }
0x1c: {  	_ =	swait.ge [sflag:s14], $0x4000  }
0x1d: {  	[sflag:s14] =	ssyncset.done $0x0  }
0x1e: {  	[sflag:s14] =	ssyncadd.s32 $0xFFFFC000  }
0x1f: {  	[spmem:s8] =	stream.linear.scatter [tilespmem:s13], [sflag:$0x2], $0x4000, $0x38;
	[tilespmem:$0x1A500] =	vst v63  }
0x20: {  	_ =	swait.ge [sflag:s14], $0x4000  }
0x21: {  	[sflag:s14] =	ssyncset.done $0x0  }
0x22: {  	[sflag:s14] =	ssyncadd.s32 $0xFFFFC000  }
0x23: {  	[spmem:s9] =	stream.linear.scatter [tilespmem:s13], [sflag:$0x2], $0x4000, $0x38;
	[tilespmem:$0x1A500] =	vst v63  }
0x24: {  	_ =	swait.ge [sflag:s14], $0x4000  }
0x25: {  	[sflag:s14] =	ssyncset.done $0x0  }
0x26: {  	[sflag:s14] =	ssyncadd.s32 $0xFFFFC000  }
0x27: {  	[spmem:s10] =	stream.linear.scatter [tilespmem:s13], [sflag:$0x2], $0x4000, $0x38;
	[tilespmem:$0x1A500] =	vst v63  }
0x28: {  	_ =	swait.ge [sflag:s14], $0x4000  }
0x29: {  	[sflag:s14] =	ssyncset.done $0x0  }
0x2a: {  	[sflag:s14] =	ssyncadd.s32 $0xFFFFC000  }
0x2b: {  	s22 =	sadd.s32 $0x0, s12;
	[bflag:$0x0] =	sbarrier.arrive $0xFFFF  }
0x2c: {  	[tilespmem:s3], [sflag:$0x2] =	stream.linear.gather [hbm4b:s22+s3], $0x50, $0x38;
	[tilespmem:$0x1A500] =	vst v63  }
0x2d: {  	_ =	swait.ge [sflag:s14], $0x50  }
0x2e: {  	[sflag:s14] =	ssyncset.done $0x0  }
0x2f: {  	s31 =	sadd.s32 $0x0, s11;
	[sflag:s14] =	ssyncadd.s32 $0xFFFFFFB0  }
0x30: {  	[tilespmem:s15], [sflag:$0x2] =	stream.linear.gather [hbm4b:s31+s3], $0x50, $0x38;
	[tilespmem:$0x1A500] =	vst v63  }
0x31: {  	_ =	swait.ge [sflag:s14], $0x50  }
0x32: {  	[sflag:s14] =	ssyncset.done $0x0  }
0x33: {  	[sflag:s14] =	ssyncadd.s32 $0xFFFFFFB0  }
0x34: {  	[tilespmem:s17], [sflag:$0x1] =	stream.indirect.gather [hbm4b:s4+s16], $0x80, s3, s16, $0xb8;
	[tilespmem:$0x1A500] =	vst v63  }
0x35: {  	_ =	swait.ge [sflag:s18], $0x2800  }
0x36: {  	[sflag:s18] =	ssyncset.done $0x0  }
0x37: {  	[sflag:s18] =	ssyncadd.s32 $0xFFFFD800  }
0x38: {  	[spmem:s1] =	stream.indirect.scatter.add.f32 [tilespmem:s17], [sflag:$0x2], $0x80, s15, s16, $0xb8;
	[tilespmem:$0x1A500] =	vst v63  }
0x39: {  	_ =	swait.ge [sflag:s14], $0x2800  }
0x3a: {  	s23 =	simm.s32 $0x14;
	s22 =	simm.s32 $0xA;
	[sflag:s14] =	ssyncset.done $0x0  }
.LBB2_4:
0x3b: {  	s24 =	sadd.s32 s22, s12  }
0x3c: {  	[sflag:s14] =	ssyncadd.s32 $0xFFFFD800;
	s25 =	smov.u32 s23;
	s26 =	sadd.s32 $0xA, s23  }
0x3d: {  	[tilespmem:s3], [sflag:$0x2] =	stream.linear.gather [hbm4b:s24+s3], $0x50, $0x38;
	[tilespmem:$0x1A500] =	vst v63  }
0x3e: {  	p0 =	sne.s32 s23, $0x4D8;
	_ =	swait.ge [sflag:s14], $0x50  }
0x3f: {  	[sflag:s14] =	ssyncset.done $0x0  }
0x40: {  	s23 =	sadd.s32 s22, s11;
	s22 =	smov.u32 s25;
	[sflag:s14] =	ssyncadd.s32 $0xFFFFFFB0  }
0x41: {  	[tilespmem:s15], [sflag:$0x2] =	stream.linear.gather [hbm4b:s23+s3], $0x50, $0x38;
	[tilespmem:$0x1A500] =	vst v63  }
0x42: {  	_ =	swait.ge [sflag:s14], $0x50  }
0x43: {  	[sflag:s14] =	ssyncset.done $0x0  }
0x44: {  	[sflag:s14] =	ssyncadd.s32 $0xFFFFFFB0  }
0x45: {  	[tilespmem:s17], [sflag:$0x1] =	stream.indirect.gather [hbm4b:s4+s16], $0x80, s3, s16, $0xb8;
	[tilespmem:$0x1A500] =	vst v63  }
0x46: {  	_ =	swait.ge [sflag:s18], $0x2800  }
.Ltmp1:
0x47: {  	[sflag:s18] =	ssyncset.done $0x0;
	(pc) =	sbr.rel @p0 .LBB2_4-.Ltmp1, $4  }
0x48: {  	[sflag:s18] =	ssyncadd.s32 $0xFFFFD800  }
0x49: {  	[spmem:s1] =	stream.indirect.scatter.add.f32 [tilespmem:s17], [sflag:$0x2], $0x80, s15, s16, $0xb8;
	[tilespmem:$0x1A500] =	vst v63  }
0x4a: {  	_ =	swait.ge [sflag:s14], $0x2800  }
0x4b: {  	s23 =	smov.u32 s26;
	[sflag:s14] =	ssyncset.done $0x0  }
0x4c: {  	s23 =	sadd.s32 s22, s12;
	[sflag:s14] =	ssyncadd.s32 $0xFFFFD800  }
0x4d: {  	[tilespmem:s3], [sflag:$0x2] =	stream.linear.gather [hbm4b:s23+s3], $0x50, $0x38;
	[tilespmem:$0x1A500] =	vst v63  }
0x4e: {  	_ =	swait.ge [sflag:s14], $0x50  }
0x4f: {  	[sflag:s14] =	ssyncset.done $0x0  }
0x50: {  	s31 =	sadd.s32 s22, s11;
	[sflag:s14] =	ssyncadd.s32 $0xFFFFFFB0  }
0x51: {  	[tilespmem:s15], [sflag:$0x2] =	stream.linear.gather [hbm4b:s31+s3], $0x50, $0x38;
	[tilespmem:$0x1A500] =	vst v63  }
0x52: {  	_ =	swait.ge [sflag:s14], $0x50  }
0x53: {  	[sflag:s14] =	ssyncset.done $0x0  }
0x54: {  	[sflag:s14] =	ssyncadd.s32 $0xFFFFFFB0  }
0x55: {  	[tilespmem:s17], [sflag:$0x1] =	stream.indirect.gather [hbm4b:s4+s16], $0x80, s3, s16, $0xb8;
	[tilespmem:$0x1A500] =	vst v63  }
0x56: {  	_ =	swait.ge [sflag:s18], $0x2800  }
0x57: {  	[sflag:s18] =	ssyncset.done $0x0  }
0x58: {  	[sflag:s18] =	ssyncadd.s32 $0xFFFFD800  }
0x59: {  	[spmem:s1] =	stream.indirect.scatter.add.f32 [tilespmem:s17], [sflag:$0x2], $0x80, s15, s16, $0xb8;
	[tilespmem:$0x1A500] =	vst v63  }
0x5a: {  	_ =	swait.ge [sflag:s14], $0x2800  }
0x5b: {  	s21 =	sadd.s32 $0x1, s21;
	[sflag:s14] =	ssyncset.done $0x0  }
0x5c: {  	p0 =	sne.s32 s21, s7;
	[sflag:s14] =	ssyncadd.s32 $0xFFFFD800  }
.Ltmp2:
0x5d: {  	[bflag:$0x0] =	sbarrier.arrive $0xFFFF;
	(pc) =	sbr.rel @p0 .LBB2_1-.Ltmp2, $4  }
0x5e: {  	[hbm:s6], [sflag:s19] =	dma.local [spmem:s20], $0x2780  }
0x5f: {  	_ =	swait.ge [sflag:s14], $0x2780  }
0x60: {  	[sflag:s14] =	ssyncset.done $0x0  }
0x61: {  	[sflag:s14] =	ssyncadd.s32 $0xFFFFD880  }
0x62: {  	_ =	sfence.sel $0x180000  }
0x63: {  	[bflag:$0x0] =	sbarrier.arrive $0xFFFF  }
0x64: {  	p0 =	sne.s32 s2, $0x0;
	_ =	strace $0x9000004D  }
0x65: {  	s0 =	sadd.s32 @!p0 $0x100000, s0;
	[bflag:$0x2] =	sbarrier.arrive $0xFFFF  }
0x66: {  	[sflag:s0] =	ssyncadd.tile.s32 @!p0 $0x1;
	_ =	shalt  }
.Lfunc_end2:
_tile_overlayer_lowered:
.L_overlay_start_2:
0x67: {  	(tag) =	ssettag $0x2  }
0x68: {  	s0 =	rddreg [dreg:$0x0];
	s2 =	stileid.u32  }
0x69: {  	s1 =	rddreg [dreg:$0x1];
	p0 =	sne.s32 s2, $0x0  }
0x6a: {  	s3 =	rddreg [dreg:$0x2];
	[bflag:$0x3] =	sbarrier.arrive $0xFFFF;
	s2 =	simm.s32 @!p0 $0x1C02  }
0x6b: {  	[timem:s3], [sflag:s2] =	dma.local @!p0 [hbm:s0], s1  }
0x6c: {  	s0 =	simm.s32 @!p0 $0x2  }
0x6d: {  	_ =	swait.ge @!p0 [sflag:s0], s1  }
0x6e: {  	s1 =	ssub.s32 @!p0 $0x0, s1;
	[sflag:s0] =	ssyncset.done @!p0 $0x0  }
0x6f: {  	[sflag:s0] =	ssyncadd.s32 @!p0 s1  }
0x70: {  	[bflag:$0x3] =	sbarrier.arrive $0xFFFF  }
0x71: {  	_ =	shalt  }

// kernel: kernel.20.cloned.1.call-start
scs
__scs_entry_jumppad:
0x0: {  	(pc) =	sbr.rel $0x88, $3  }
0x1: {  	(tag) =	ssettag $0x0;
	lr =	simm.s32 $0x1  }
0x2: {  	[smem:$0x3F96] =	sst lr;
	_ =	strace $0xD0000000  }
0x3: {  	_ = 	snop  }
0x4: {  	_ = 	snop  }
0x5: {  	_ = 	snop  }
0x6: {  	_ = 	snop  }
0x7: {  	_ = 	snop  }
__scs_overlays_trampoline_lowered:
0x8: {  	[smem:$0x3FA5] =	sst s0  }
0x9: {  	[smem:$0x3FA6] =	sst s1  }
0xa: {  	[smem:$0x3FA7] =	sst s2  }
0xb: {  	[smem:$0x3FA8] =	sst s3  }
0xc: {  	[smem:$0x3FA9] =	sst s4  }
0xd: {  	[smem:$0x3FAA] =	sst s5  }
0xe: {  	[smem:$0x3FAB] =	sst s6  }
0xf: {  	[smem:$0x3FAC] =	sst s7  }
0x10: {  	[smem:$0x3FAD] =	sst s8  }
0x11: {  	[smem:$0x3FAE] =	sst s9;
	s0 =	simm.s32 @!p0 $0x0  }
0x12: {  	s1 =	sld [smem:$0x3F94];
	s0 =	simm.s32 @p0 $0x1  }
0x13: {  	[smem:$0x3FAF] =	sst s0;
	s0 =	simm.s32 @!p1 $0x0  }
0x14: {  	s2 =	sld [smem:$0x3F93];
	s0 =	simm.s32 @p1 $0x1  }
0x15: {  	[smem:$0x3FB0] =	sst s0;
	s0 =	simm.s32 @!p2 $0x0  }
0x16: {  	s3 =	sld [smem:$0x3FDB];
	s0 =	simm.s32 @p2 $0x1  }
0x17: {  	s4 =	simm.s32 $0x1BF5;
	[smem:$0x3FB2] =	sst s0  }
0x18: {  	s0 =	sld [smem:$0x3F95];
	_ =	swait.ge [sflag:s4], $0x0  }
0x19: {  	s7 =	sld [smem:$0x3F96]  }
0x1a: {  	s8 =	sadd.s32 $0xFFFFE003, lr  }
0x1b: {  	s9 =	sadd.s32 $0xFFFFFEF7, lr;
	s5 =	simm.s32 $0xFFFFFFFF;
	p2 =	slt.u32 s8, $0xFFFFF086  }
0x1c: {  	p1 =	slt.u32 s9, $0xF7A;
	s5 =	simm.s32 @!p2 $0x0  }
0x1d: {  	s5 =	simm.s32 @p1 $0x1;
	p0 =	seq.s32 s7, s2  }
0x1e: {  	s7 =	smul.u32 @!p0 $0xF7A, s2;
	p2 =	seq.s32 @!p0 s5, $0x0  }
0x1f: {  	s9 =	smul.u32 $0xF7A, s1;
	s8 =	simm.s32 @!p0 $0x1BF5;
	p2 =	por !p2, p0  }
0x20: {  	[sflag:s8] =	ssyncset.s32 @!p0 $0xFFFFF086;
	s6 =	sadd.s32 @!p0 s3, s7;
	s7 =	simm.s32 @!p0 $0x108  }
0x21: {  	s3 =	sadd.s32 s3, s9;
	s6 =	sadd.s32 @!p0 $0x88, s6;
	s7 =	simm.s32 @p2 $0x1082  }
0x22: {  	[simem:s7], [sflag:s8] =	dma.local @!p0 [hbm:s6], $0xF7A  }
0x23: {  	s9 =	sor.u32 $0xD0000000, s2;
	s6 =	simm.s32 $0x108;
	_ =	swait.ge @!p0 [sflag:s8], $0x0  }
0x24: {  	s3 =	sadd.s32 $0x88, s3;
	s6 =	simm.s32 @!p1 $0x1082;
	[sflag:s4] =	ssyncset.s32 $0xFFFFF086  }
0x25: {  	[simem:s6], [sflag:s4] =	dma.local [hbm:s3], $0xF7A  }
0x26: {  	[smem:$0x3F96] =	sst s1;
	(tag) =	ssettag s2;
	_ =	strace s9  }
0x27: {  	s1 =	sld [smem:$0x3FA6]  }
0x28: {  	s2 =	sld [smem:$0x3FA7]  }
0x29: {  	s4 =	sld [smem:$0x3FA9]  }
0x2a: {  	p0 =	seq.s32 s5, $0x0;
	s5 =	sld [smem:$0x3FAA]  }
0x2b: {  	s6 =	sld [smem:$0x3FAB]  }
0x2c: {  	s7 =	sld [smem:$0x3FAC]  }
0x2d: {  	s3 =	simm.s32 $0x108;
	s8 =	sld [smem:$0x3FAD]  }
0x2e: {  	s3 =	simm.s32 @!p0 $0x1082;
	s9 =	sld [smem:$0x3FAE]  }
0x2f: {  	lr =	sadd.s32 s0, s3;
	s0 =	sld [smem:$0x3FA5]  }
0x30: {  	s3 =	sld [smem:$0x3FA8]  }
0x31: {  	[smem:$0x3FB1] =	sst s10  }
0x32: {  	s10 =	sld [smem:$0x3FAF];
	_ =	sdelay $0x3  }
0x33: {  	p0 =	seq.s32 s10, $0x1;
	s10 =	sld [smem:$0x3FB1];
	_ =	sdelay $0x3  }
0x34: {  	[smem:$0x3FB1] =	sst s10  }
0x35: {  	s10 =	sld [smem:$0x3FB0];
	_ =	sdelay $0x3  }
0x36: {  	p1 =	seq.s32 s10, $0x1;
	s10 =	sld [smem:$0x3FB1];
	_ =	sdelay $0x3  }
0x37: {  	[smem:$0x3FB1] =	sst s10  }
0x38: {  	s10 =	sld [smem:$0x3FB2]  }
0x39: {  	_ = 	snop;
	(pc) =	sbr.ind lr, $3  }
0x3a: {  	_ = 	snop  }
0x3b: {  	_ = 	snop  }
0x3c: {  	p2 =	seq.s32 s10, $0x1;
	s10 =	sld [smem:$0x3FB1]  }
0x3d: {  	_ =	shalt  }
0x3e: {  	_ =	shalt  }
0x3f: {  	_ =	shalt  }
0x40: {  	_ =	shalt  }
0x41: {  	_ =	shalt  }
0x42: {  	_ =	shalt  }
0x43: {  	_ =	shalt  }
0x44: {  	_ =	shalt  }
0x45: {  	_ =	shalt  }
0x46: {  	_ =	shalt  }
0x47: {  	_ =	shalt  }
0x48: {  	_ =	shalt  }
0x49: {  	_ =	shalt  }
0x4a: {  	_ =	shalt  }
0x4b: {  	_ =	shalt  }
0x4c: {  	_ =	shalt  }
0x4d: {  	_ =	shalt  }
0x4e: {  	_ =	shalt  }
0x4f: {  	_ =	shalt  }
0x50: {  	_ =	shalt  }
0x51: {  	_ =	shalt  }
0x52: {  	_ =	shalt  }
0x53: {  	_ =	shalt  }
0x54: {  	_ =	shalt  }
0x55: {  	_ =	shalt  }
0x56: {  	_ =	shalt  }
0x57: {  	_ =	shalt  }
0x58: {  	_ =	shalt  }
0x59: {  	_ =	shalt  }
0x5a: {  	_ =	shalt  }
0x5b: {  	_ =	shalt  }
0x5c: {  	_ =	shalt  }
0x5d: {  	_ =	shalt  }
0x5e: {  	_ =	shalt  }
0x5f: {  	_ =	shalt  }
0x60: {  	_ =	shalt  }
0x61: {  	_ =	shalt  }
0x62: {  	_ =	shalt  }
0x63: {  	_ =	shalt  }
0x64: {  	_ =	shalt  }
0x65: {  	_ =	shalt  }
0x66: {  	_ =	shalt  }
0x67: {  	_ =	shalt  }
0x68: {  	_ =	shalt  }
0x69: {  	_ =	shalt  }
0x6a: {  	_ =	shalt  }
0x6b: {  	_ =	shalt  }
0x6c: {  	_ =	shalt  }
0x6d: {  	_ =	shalt  }
0x6e: {  	_ =	shalt  }
0x6f: {  	_ =	shalt  }
0x70: {  	_ =	shalt  }
0x71: {  	_ =	shalt  }
0x72: {  	_ =	shalt  }
0x73: {  	_ =	shalt  }
0x74: {  	_ =	shalt  }
0x75: {  	_ =	shalt  }
0x76: {  	_ =	shalt  }
0x77: {  	_ =	shalt  }
0x78: {  	_ =	shalt  }
0x79: {  	_ =	shalt  }
0x7a: {  	_ =	shalt  }
0x7b: {  	_ =	shalt  }
0x7c: {  	_ =	shalt  }
0x7d: {  	_ =	shalt  }
0x7e: {  	_ =	shalt  }
0x7f: {  	_ =	shalt  }
0x80: {  	_ =	shalt  }
0x81: {  	_ =	shalt  }
0x82: {  	_ =	shalt  }
0x83: {  	_ =	shalt  }
0x84: {  	_ =	shalt  }
0x85: {  	_ =	shalt  }
0x86: {  	_ =	shalt  }
0x87: {  	_ =	shalt  }
.Lfunc_end0:
.L_simem_size_0:
called_computation.3_lowered:
.L_overlay_start_0:
0x88: {  	s2 =	sld [smem:$0x3FD9]  }
0x89: {  	s3 =	sld [smem:$0x3FFE];
	_ =	sdelay $0x1  }
0x8a: {  	s1 =	srdreg.scid  }
0x8b: {  	s0 =	sand.u32 $0x1, s1  }
0x8c: {  	s16 =	sshll.u32 s0, $0xA;
	s2 =	sadd.s32 s3, s2  }
0x8d: {  	s2 =	sadd.s32 s2, s16  }
0x8e: {  	[smem:$0x3FBD] =	sst s2  }
0x8f: {  	_ = 	snop  }
0x90: {  	(tm) =	ssettm $0x1  }
0x91: {  	s17 =	sld [smem:$0x3FFB];
	_ =	sdelay $0x3  }
0x92: {  	_ =	strace s17  }
0x93: {  	s2 =	sld [smem:$0x3FFC];
	_ =	sdelay $0x3  }
0x94: {  	_ =	strace s2  }
0x95: {  	s2 =	sld [smem:$0x3FFD];
	_ =	sdelay $0x3  }
0x96: {  	_ =	strace s2  }
0x97: {  	_ =	strace $0x8FFFFFFF  }
0x98: {  	s18 =	sld [smem:$0x3FDB];
	_ =	sdelay $0x1  }
0x99: {  	s19 =	simm.s32 $_scs_section_size  }
0x9a: {  	s4 =	simm.s32 $_size__tile_overlayer_lowered;
	s5 =	simm.s32 $_tile_overlayer_lowered  }
0x9b: {  	s22 =	simm.s32 $0x1BFF;
	s21 =	sshll.u32 s5, $0x1;
	s2 =	sadd.s32 s19, s18  }
0x9c: {  	s6 =	simm.s32 $0x0;
	s20 =	sshll.u32 s4, $0x1;
	s4 =	sadd.s32 s21, s2  }
0x9d: {  	[timem:s6], [sflag:s22] =	dma.local [hbm:s4], s20  }
0x9e: {  	_ =	swait.ge [sflag:s22], s20  }
0x9f: {  	s3 =	ssub.s32 $0x0, s20;
	[sflag:s22] =	ssyncset.done $0x0  }
0xa0: {  	[sflag:s22] =	ssyncadd.s32 s3;
	_ =	sdelay $0x1  }
0xa1: {  	s23 =	simm.s32 $0x1B8B  }
0xa2: {  	_ =	swait.ge [sflag:s23], $0x1  }
0xa3: {  	[sflag:s23] =	ssyncset.done $0x0  }
0xa4: {  	s25 =	simm.s32 $0x1B8E;
	s24 =	sld [smem:$0x3FFE];
	[sflag:s23] =	ssyncadd.s32 $0xFFFFFFFF  }
0xa5: {  	s26 =	simm.s32 $execute0_lowered;
	[smem:$0x3FD2] =	sst s25  }
0xa6: {  	s4 =	sshll.u32 s26, $0x1;
	_ =	strace $0x8000004F;
	[dreg:$0x1] =	wrdreg $0xFFFFFFFF  }
0xa7: {  	s28 =	simm.s32 $_size_execute0_lowered;
	s2 =	sadd.s32 s2, s4;
	[dreg:$0x0] =	wrdreg $0x0  }
0xa8: {  	s4 =	sshll.u32 s28, $0x1;
	[dreg:$0x2] =	wrdreg s2  }
0xa9: {  	[dreg:$0x3] =	wrdreg s4  }
0xaa: {  	[dreg:$0x4] =	wrdreg $0xC0  }
0xab: {  	_ =	task [dreg:s6], $0x5FFFF  }
0xac: {  	[dreg:$0x1] =	wrdreg $0xFFFFFFFF  }
0xad: {  	[dreg:$0x0] =	wrdreg $0x60  }
0xae: {  	[dreg:$0x2] =	wrdreg s24  }
0xaf: {  	[dreg:$0x3] =	wrdreg $0x69000  }
0xb0: {  	[dreg:$0x4] =	wrdreg $0x9  }
0xb1: {  	_ =	task.clear_ibuf [dreg:s6], $0x5FFFF;
	_ =	strace $0x9000004F  }
0xb2: {  	s29 =	simm.s32 $0x9;
	_ =	strace $0x80000051  }
0xb3: {  	_ =	swait.ge [sflag:s29], $0x1  }
0xb4: {  	[sflag:s29] =	ssyncadd.s32 $0xFFFFFFFF  }
0xb5: {  	_ =	strace $0x90000051  }
0xb6: {  	_ =	sfence  }
0xb7: {  	s30 =	sld [smem:$0x0];
	_ =	sdelay $0x2  }
0xb8: {  	s31 =	sshll.u32 s1, $0xD;
	s1 =	sshrl.u32 s1, $0x2  }
0xb9: {  	s3 =	sand.u32 $0x4000, s31;
	s1 =	sadd.s32 s1, s30  }
0xba: {  	s0 =	sor.u32 s3, s0;
	s1 =	sshll.u32 s1, $0x11  }
0xbb: {  	s0 =	sor.u32 s1, s0  }
0xbc: {  	s0 =	sadd.s32 $0x8F2B, s0  }
0xbd: {  	[sflag:s0] =	ssyncadd.remote.s32 $0x1  }
0xbe: {  	_ =	sfence.sel $0xFFFF  }
0xbf: {  	[dreg:$0x0] =	wrdreg $0xFFFFFFFF;
	(pc) =	sbr.abs _section_cstart, $3  }
0xc0: {  	[dreg:$0x1] =	wrdreg $0xFFFFFFFF  }
0xc1: {  	_ =	task.clear_ibuf [dreg:s6], $0x2FFFF;
	_ =	strace $0x9FFFFFFF  }
0xc2: {  	(tm) =	ssettm $0x7FFFFFFF  }
0xc3: {  	_ =	shalt  }
tec
execute0_lowered:
.L_overlay_start_1:
0x0: {  	(tag) =	ssettag $0x1  }
0x1: {  	s5 =	rddreg [dreg:$0x0]  }
0x2: {  	s1 =	rddreg [dreg:$0x1];
	s2 =	srdreg.scid  }
0x3: {  	s0 =	rddreg [dreg:$0x2];
	s3 =	simm.s32 $0x0;
	s13 =	simm.s32 $0x2900  }
0x4: {  	s14 =	simm.s32 $0x2;
	s15 =	simm.s32 $0x80;
	s6 =	sand.u32 $0x1, s2  }
0x5: {  	s16 =	simm.s32 $0x50;
	s2 =	stileid.u32;
	s7 =	smul.u32 $0x27100, s6  }
0x6: {  	s17 =	simm.s32 $0x100;
	s18 =	simm.s32 $0x1;
	s8 =	smul.u32 $0x2710, s2  }
0x7: {  	s21 =	simm.s32 $0x0;
	[smem:$0x7FF] =	sst s3;
	s9 =	smul.u32 $0x27800, s6  }
0x8: {  	s4 =	sadd.s32 $0x18200, s5;
	_ =	strace $0x80000050;
	s28 =	smul.u32 $0x2780, s2  }
0x9: {  	s6 =	ssub.s32 $0x2, s6;
	s10 =	smul.u32 $0x4F000, s2;
	s19 =	sshll.u32 s2, $0x6  }
0xa: {  	s30 =	sshrl.u32 s6, $0x1;
	s19 =	sor.u32 $0x1C02, s19;
	s7 =	sadd.s32 s8, s7  }
0xb: {  	s29 =	sadd.s32 s28, s9;
	s8 =	ssub.s32 s6, s30;
	s7 =	sshrl.u32 s7, $0x3  }
0xc: {  	s31 =	sshrl.u32 s10, $0x2;
	s12 =	sadd.s32 s7, s5;
	s7 =	sadd.s32 s29, s5  }
0xd: {  	s5 =	sadd.s32 s31, s1;
	s6 =	sadd.s32 $0x3F400, s7;
	s7 =	smax.u32 s8, $0x1  }
0xe: {  	s8 =	sadd.s32 $0x4000, s5;
	s9 =	sadd.s32 $0x8000, s5;
	s10 =	sadd.s32 $0xC000, s5  }
0xf: {  	v0 =	vimm.f32 $0.0e+00;
	s11 =	sadd.s32 $0x4600, s12;
	s12 =	sadd.s32 $0xE400, s12;
	s20 =	sshrl.u32 s5, $0x3  }
.LBB2_1:
0x10: {  	s22 =	sand.u32 $0xFE00, s3  }
0x11: {  	s23 =	sand.u32 $0x70, s3;
	s24 =	sshrl.u32 s22, $0x2  }
0x12: {  	s22 =	simm.s32 $0x40;
	s24 =	sor.u32 s23, s24;
	s23 =	simm.s32 $0x0  }
.LBB2_2:
0x13: {  	p0 =	sne.s32 s22, $0xFFC0  }
0x14: {  	[tilespmem:s24+$0x2900] =	vst v0;
	s23 =	sadd.s32 $0x10, s23;
	s24 =	smov.u32 s22;
	s22 =	sadd.s32 $0x40, s22  }
.Ltmp0:
0x15: {  	(pc) =	sbr.rel @p0 .LBB2_2-.Ltmp0, $4  }
0x16: {  	_ = 	snop  }
0x17: {  	s24 =	sand.u32 $0xFE00, s24  }
0x18: {  	s25 =	sand.u32 $0x70, s23;
	s24 =	sshrl.u32 s24, $0x2  }
0x19: {  	s24 =	sor.u32 s25, s24  }
0x1a: {  	[tilespmem:s24+$0x2900] =	vst v0  }
0x1b: {  	[spmem:s5] =	stream.linear.scatter [tilespmem:s13], [sflag:$0x2], $0x4000, $0x38;
	[tilespmem:$0x1A500] =	vst v63  }
0x1c: {  	_ =	swait.ge [sflag:s14], $0x4000  }
0x1d: {  	[sflag:s14] =	ssyncset.done $0x0  }
0x1e: {  	[sflag:s14] =	ssyncadd.s32 $0xFFFFC000  }
0x1f: {  	[spmem:s8] =	stream.linear.scatter [tilespmem:s13], [sflag:$0x2], $0x4000, $0x38;
	[tilespmem:$0x1A500] =	vst v63  }
0x20: {  	_ =	swait.ge [sflag:s14], $0x4000  }
0x21: {  	[sflag:s14] =	ssyncset.done $0x0  }
0x22: {  	[sflag:s14] =	ssyncadd.s32 $0xFFFFC000  }
0x23: {  	[spmem:s9] =	stream.linear.scatter [tilespmem:s13], [sflag:$0x2], $0x4000, $0x38;
	[tilespmem:$0x1A500] =	vst v63  }
0x24: {  	_ =	swait.ge [sflag:s14], $0x4000  }
0x25: {  	[sflag:s14] =	ssyncset.done $0x0  }
0x26: {  	[sflag:s14] =	ssyncadd.s32 $0xFFFFC000  }
0x27: {  	[spmem:s10] =	stream.linear.scatter [tilespmem:s13], [sflag:$0x2], $0x4000, $0x38;
	[tilespmem:$0x1A500] =	vst v63  }
0x28: {  	_ =	swait.ge [sflag:s14], $0x4000  }
0x29: {  	[sflag:s14] =	ssyncset.done $0x0  }
0x2a: {  	[sflag:s14] =	ssyncadd.s32 $0xFFFFC000  }
0x2b: {  	s22 =	sadd.s32 $0x0, s12;
	[bflag:$0x0] =	sbarrier.arrive $0xFFFF  }
0x2c: {  	[tilespmem:s3], [sflag:$0x2] =	stream.linear.gather [hbm4b:s22+s3], $0x50, $0x38;
	[tilespmem:$0x1A500] =	vst v63  }
0x2d: {  	_ =	swait.ge [sflag:s14], $0x50  }
0x2e: {  	[sflag:s14] =	ssyncset.done $0x0  }
0x2f: {  	s31 =	sadd.s32 $0x0, s11;
	[sflag:s14] =	ssyncadd.s32 $0xFFFFFFB0  }
0x30: {  	[tilespmem:s15], [sflag:$0x2] =	stream.linear.gather [hbm4b:s31+s3], $0x50, $0x38;
	[tilespmem:$0x1A500] =	vst v63  }
0x31: {  	_ =	swait.ge [sflag:s14], $0x50  }
0x32: {  	[sflag:s14] =	ssyncset.done $0x0  }
0x33: {  	[sflag:s14] =	ssyncadd.s32 $0xFFFFFFB0  }
0x34: {  	[tilespmem:s17], [sflag:$0x1] =	stream.indirect.gather [hbm4b:s4+s16], $0x80, s3, s16, $0xb8;
	[tilespmem:$0x1A500] =	vst v63  }
0x35: {  	_ =	swait.ge [sflag:s18], $0x2800  }
0x36: {  	[sflag:s18] =	ssyncset.done $0x0  }
0x37: {  	[sflag:s18] =	ssyncadd.s32 $0xFFFFD800  }
0x38: {  	[spmem:s1] =	stream.indirect.scatter.add.f32 [tilespmem:s17], [sflag:$0x2], $0x80, s15, s16, $0xb8;
	[tilespmem:$0x1A500] =	vst v63  }
0x39: {  	_ =	swait.ge [sflag:s14], $0x2800  }
0x3a: {  	s23 =	simm.s32 $0x14;
	s22 =	simm.s32 $0xA;
	[sflag:s14] =	ssyncset.done $0x0  }
.LBB2_4:
0x3b: {  	s24 =	sadd.s32 s22, s12  }
0x3c: {  	[sflag:s14] =	ssyncadd.s32 $0xFFFFD800;
	s25 =	smov.u32 s23;
	s26 =	sadd.s32 $0xA, s23  }
0x3d: {  	[tilespmem:s3], [sflag:$0x2] =	stream.linear.gather [hbm4b:s24+s3], $0x50, $0x38;
	[tilespmem:$0x1A500] =	vst v63  }
0x3e: {  	p0 =	sne.s32 s23, $0x4D8;
	_ =	swait.ge [sflag:s14], $0x50  }
0x3f: {  	[sflag:s14] =	ssyncset.done $0x0  }
0x40: {  	s23 =	sadd.s32 s22, s11;
	s22 =	smov.u32 s25;
	[sflag:s14] =	ssyncadd.s32 $0xFFFFFFB0  }
0x41: {  	[tilespmem:s15], [sflag:$0x2] =	stream.linear.gather [hbm4b:s23+s3], $0x50, $0x38;
	[tilespmem:$0x1A500] =	vst v63  }
0x42: {  	_ =	swait.ge [sflag:s14], $0x50  }
0x43: {  	[sflag:s14] =	ssyncset.done $0x0  }
0x44: {  	[sflag:s14] =	ssyncadd.s32 $0xFFFFFFB0  }
0x45: {  	[tilespmem:s17], [sflag:$0x1] =	stream.indirect.gather [hbm4b:s4+s16], $0x80, s3, s16, $0xb8;
	[tilespmem:$0x1A500] =	vst v63  }
0x46: {  	_ =	swait.ge [sflag:s18], $0x2800  }
.Ltmp1:
0x47: {  	[sflag:s18] =	ssyncset.done $0x0;
	(pc) =	sbr.rel @p0 .LBB2_4-.Ltmp1, $4  }
0x48: {  	[sflag:s18] =	ssyncadd.s32 $0xFFFFD800  }
0x49: {  	[spmem:s1] =	stream.indirect.scatter.add.f32 [tilespmem:s17], [sflag:$0x2], $0x80, s15, s16, $0xb8;
	[tilespmem:$0x1A500] =	vst v63  }
0x4a: {  	_ =	swait.ge [sflag:s14], $0x2800  }
0x4b: {  	s23 =	smov.u32 s26;
	[sflag:s14] =	ssyncset.done $0x0  }
0x4c: {  	s23 =	sadd.s32 s22, s12;
	[sflag:s14] =	ssyncadd.s32 $0xFFFFD800  }
0x4d: {  	[tilespmem:s3], [sflag:$0x2] =	stream.linear.gather [hbm4b:s23+s3], $0x50, $0x38;
	[tilespmem:$0x1A500] =	vst v63  }
0x4e: {  	_ =	swait.ge [sflag:s14], $0x50  }
0x4f: {  	[sflag:s14] =	ssyncset.done $0x0  }
0x50: {  	s31 =	sadd.s32 s22, s11;
	[sflag:s14] =	ssyncadd.s32 $0xFFFFFFB0  }
0x51: {  	[tilespmem:s15], [sflag:$0x2] =	stream.linear.gather [hbm4b:s31+s3], $0x50, $0x38;
	[tilespmem:$0x1A500] =	vst v63  }
0x52: {  	_ =	swait.ge [sflag:s14], $0x50  }
0x53: {  	[sflag:s14] =	ssyncset.done $0x0  }
0x54: {  	[sflag:s14] =	ssyncadd.s32 $0xFFFFFFB0  }
0x55: {  	[tilespmem:s17], [sflag:$0x1] =	stream.indirect.gather [hbm4b:s4+s16], $0x80, s3, s16, $0xb8;
	[tilespmem:$0x1A500] =	vst v63  }
0x56: {  	_ =	swait.ge [sflag:s18], $0x2800  }
0x57: {  	[sflag:s18] =	ssyncset.done $0x0  }
0x58: {  	[sflag:s18] =	ssyncadd.s32 $0xFFFFD800  }
0x59: {  	[spmem:s1] =	stream.indirect.scatter.add.f32 [tilespmem:s17], [sflag:$0x2], $0x80, s15, s16, $0xb8;
	[tilespmem:$0x1A500] =	vst v63  }
0x5a: {  	_ =	swait.ge [sflag:s14], $0x2800  }
0x5b: {  	s21 =	sadd.s32 $0x1, s21;
	[sflag:s14] =	ssyncset.done $0x0  }
0x5c: {  	p0 =	sne.s32 s21, s7;
	[sflag:s14] =	ssyncadd.s32 $0xFFFFD800  }
.Ltmp2:
0x5d: {  	[bflag:$0x0] =	sbarrier.arrive $0xFFFF;
	(pc) =	sbr.rel @p0 .LBB2_1-.Ltmp2, $4  }
0x5e: {  	[hbm:s6], [sflag:s19] =	dma.local [spmem:s20], $0x2780  }
0x5f: {  	_ =	swait.ge [sflag:s14], $0x2780  }
0x60: {  	[sflag:s14] =	ssyncset.done $0x0  }
0x61: {  	[sflag:s14] =	ssyncadd.s32 $0xFFFFD880  }
0x62: {  	_ =	sfence.sel $0x180000  }
0x63: {  	[bflag:$0x0] =	sbarrier.arrive $0xFFFF  }
0x64: {  	p0 =	sne.s32 s2, $0x0;
	_ =	strace $0x90000050  }
0x65: {  	s0 =	sadd.s32 @!p0 $0x100000, s0;
	[bflag:$0x2] =	sbarrier.arrive $0xFFFF  }
0x66: {  	[sflag:s0] =	ssyncadd.tile.s32 @!p0 $0x1;
	_ =	shalt  }
.Lfunc_end2:
_tile_overlayer_lowered:
.L_overlay_start_2:
0x67: {  	(tag) =	ssettag $0x2  }
0x68: {  	s0 =	rddreg [dreg:$0x0];
	s2 =	stileid.u32  }
0x69: {  	s1 =	rddreg [dreg:$0x1];
	p0 =	sne.s32 s2, $0x0  }
0x6a: {  	s3 =	rddreg [dreg:$0x2];
	[bflag:$0x3] =	sbarrier.arrive $0xFFFF;
	s2 =	simm.s32 @!p0 $0x1C02  }
0x6b: {  	[timem:s3], [sflag:s2] =	dma.local @!p0 [hbm:s0], s1  }
0x6c: {  	s0 =	simm.s32 @!p0 $0x2  }
0x6d: {  	_ =	swait.ge @!p0 [sflag:s0], s1  }
0x6e: {  	s1 =	ssub.s32 @!p0 $0x0, s1;
	[sflag:s0] =	ssyncset.done @!p0 $0x0  }
0x6f: {  	[sflag:s0] =	ssyncadd.s32 @!p0 s1  }
0x70: {  	[bflag:$0x3] =	sbarrier.arrive $0xFFFF  }
0x71: {  	_ =	shalt  }

</sc_bundles>
